<compile_context>
chip_gen: v7x
topology: tpu7x:2x2x1
jax: 0.10.2.dev20260603
libtpu: 0.0.44.dev20260713+nightly
codegen_flags: <defaults>
</compile_context>

<pallas_src>
import functools

import jax
import jax.numpy as jnp
from jax import lax
from jax.experimental import pallas as pl
from jax.experimental.pallas import tpu as pltpu
from jax.experimental.pallas import tpu_sc as plsc

BATCH = 16384
EMBED = 32
LINE = 128
PACK = LINE // EMBED
TR_BLK = 8192
N_TR_BLOCKS = 123
NLINES = N_TR_BLOCKS * (TR_BLK // PACK)
NC = 2
NS = 16
NW = NC * NS
B_PER_W = BATCH // NW
CHUNK = 128
N_CHUNKS = B_PER_W // CHUNK
VLANES = 16


def _pack_body(in_ref, o_ref):
    x = in_ref[...]
    y = x.T
    for s in range(TR_BLK // 512):
        o_ref[s * LINE:(s + 1) * LINE, :] = jnp.concatenate(
            [y[s * 512 + k * LINE:s * 512 + (k + 1) * LINE, :]
             for k in range(PACK)], axis=1)


def _pack(t_t):
    return pl.pallas_call(
        _pack_body,
        grid=(N_TR_BLOCKS,),
        in_specs=[pl.BlockSpec((EMBED, TR_BLK), lambda i: (0, i))],
        out_specs=pl.BlockSpec((TR_BLK // PACK, LINE), lambda i: (i, 0)),
        out_shape=jax.ShapeDtypeStruct((NLINES, LINE), jnp.float32),
    )(t_t)


def _sc_gather_body(user_p, business_p, uid, bid, out_u, out_b,
                    idx, rows, sem):
    wid = lax.axis_index("c") * NS + lax.axis_index("s")
    base = wid * B_PER_W
    for ids_hbm, table, out in ((uid, user_p, out_u),
                                (bid, business_p, out_b)):
        pltpu.sync_copy(ids_hbm.at[pl.ds(base, B_PER_W)], idx)
        for k in range(B_PER_W // VLANES):
            sl = pl.ds(k * VLANES, VLANES)
            v = idx[sl]
            hi = lax.shift_left(lax.shift_right_logical(v, 9), 7)
            idx[sl] = hi | (v & (LINE - 1))
        copies = []
        for c in range(N_CHUNKS):
            sl = pl.ds(c * CHUNK, CHUNK)
            copies.append(pltpu.async_copy(
                table.at[idx.at[sl]], rows.at[sl], sem))
        for cp in copies:
            cp.wait()
        pltpu.sync_copy(rows, out.at[pl.ds(base, B_PER_W)])


@functools.cache
def _sc_gather():
    return pl.kernel(
        _sc_gather_body,
        out_type=[
            jax.ShapeDtypeStruct((BATCH, LINE), jnp.float32),
            jax.ShapeDtypeStruct((BATCH, LINE), jnp.float32),
        ],
        mesh=plsc.VectorSubcoreMesh(core_axis_name="c", subcore_axis_name="s"),
        scratch_types=[
            pltpu.VMEM((B_PER_W,), jnp.int32),
            pltpu.VMEM((B_PER_W, LINE), jnp.float32),
            pltpu.SemaphoreType.DMA,
        ],
    )


def _mlp_body(uid_ref, bid_ref, ur_ref, br_ref, w1u_ref, w1b_ref, b1_ref,
              w2_ref, b2_ref, o_ref):
    uoff = lax.shift_right_logical(uid_ref[...], 7) & (PACK - 1)
    boff = lax.shift_right_logical(bid_ref[...], 7) & (PACK - 1)
    ur = ur_ref[...]
    br = br_ref[...]
    usel = jnp.zeros_like(ur[:, :EMBED])
    bsel = jnp.zeros_like(usel)
    for k in range(PACK):
        usel += jnp.where(uoff == k, ur[:, k * EMBED:(k + 1) * EMBED], 0.0)
        bsel += jnp.where(boff == k, br[:, k * EMBED:(k + 1) * EMBED], 0.0)
    h = (jnp.dot(usel, w1u_ref[...], preferred_element_type=jnp.float32)
         + jnp.dot(bsel, w1b_ref[...], preferred_element_type=jnp.float32)
         + b1_ref[...])
    h = jnp.maximum(h, 0.0)
    o = jnp.dot(h, w2_ref[...], preferred_element_type=jnp.float32) + b2_ref[...]
    o_ref[...] = jnp.maximum(o, 0.0).T


def _mlp(uid2, bid2, u_rows, b_rows, w1u_t, w1b_t, b1, w2_t, b2, block=2048):
    n_blocks = BATCH // block
    return pl.pallas_call(
        _mlp_body,
        grid=(n_blocks,),
        in_specs=[
            pl.BlockSpec((block, 1), lambda i: (i, 0)),
            pl.BlockSpec((block, 1), lambda i: (i, 0)),
            pl.BlockSpec((block, LINE), lambda i: (i, 0)),
            pl.BlockSpec((block, LINE), lambda i: (i, 0)),
            pl.BlockSpec(w1u_t.shape, lambda i: (0, 0)),
            pl.BlockSpec(w1b_t.shape, lambda i: (0, 0)),
            pl.BlockSpec(b1.shape, lambda i: (0, 0)),
            pl.BlockSpec(w2_t.shape, lambda i: (0, 0)),
            pl.BlockSpec(b2.shape, lambda i: (0, 0)),
        ],
        out_specs=pl.BlockSpec((w2_t.shape[1], block), lambda i: (0, i)),
        out_shape=jax.ShapeDtypeStruct((w2_t.shape[1], BATCH), jnp.float32),
    )(uid2, bid2, u_rows, b_rows, w1u_t, w1b_t, b1, w2_t, b2)


def kernel(user_ids, business_ids, user_table, business_table, W1, b1, W2, b2):
    uid = user_ids.astype(jnp.int32)
    bid = business_ids.astype(jnp.int32)
    user_p = _pack(user_table.T)
    business_p = _pack(business_table.T)
    u_rows, b_rows = _sc_gather()(user_p, business_p, uid, bid)
    w1u_t = W1[:, :EMBED].T
    w1b_t = W1[:, EMBED:].T
    w2_t = W2.T
    o_t = _mlp(uid.reshape(-1, 1), bid.reshape(-1, 1), u_rows, b_rows,
               w1u_t, w1b_t, b1.reshape(1, -1), w2_t, b2.reshape(1, -1))
    return o_t.T

# --- scband reference (transcript-rebuilt; emitter-appended) ---
"""Pipeline reference for scband-customer-restaurant-interaction-module-2585570312593 (READ-ONLY COPY).

The authoritative reference and input builder live on the scoring server;
editing this copy changes nothing except your own understanding.
"""

import jax, jax.numpy as jnp
import numpy as np

NUM_USERS = 1000000
NUM_BUSINESSES = 1000000
EMBED_DIM = 32
BATCH = 16384
MLP_DIMS = [64, 32]


def setup_inputs(seed: int = 0) -> dict:
    key = jax.random.key(seed)
    k1, k2, k3, k4, k5, k6, k7, k8 = jax.random.split(key, 8)
    user_ids = jax.random.randint(k1, (BATCH,), 0, NUM_USERS, dtype=jnp.int64 if jax.config.jax_enable_x64 else jnp.int32)
    business_ids = jax.random.randint(k2, (BATCH,), 0, NUM_BUSINESSES, dtype=jnp.int64 if jax.config.jax_enable_x64 else jnp.int32)
    user_table = jax.random.normal(k3, (NUM_USERS, EMBED_DIM), dtype=jnp.float32) * 0.02
    business_table = jax.random.normal(k4, (NUM_BUSINESSES, EMBED_DIM), dtype=jnp.float32) * 0.02
    in_dim = EMBED_DIM * 2
    W1 = jax.random.normal(k5, (MLP_DIMS[0], in_dim), dtype=jnp.float32) * (1.0 / np.sqrt(in_dim))
    b1 = jnp.zeros((MLP_DIMS[0],), dtype=jnp.float32)
    W2 = jax.random.normal(k6, (MLP_DIMS[1], MLP_DIMS[0]), dtype=jnp.float32) * (1.0 / np.sqrt(MLP_DIMS[0]))
    b2 = jnp.zeros((MLP_DIMS[1],), dtype=jnp.float32)
    return {"user_ids": user_ids, "business_ids": business_ids,
            "user_table": user_table, "business_table": business_table,
            "W1": W1, "b1": b1, "W2": W2, "b2": b2}


def reference(user_ids, business_ids, user_table, business_table, W1, b1, W2, b2):
    user_vec = jnp.take(user_table, user_ids, axis=0)
    business_vec = jnp.take(business_table, business_ids, axis=0)
    combined = jnp.concatenate([user_vec, business_vec], axis=1)
    h = jnp.maximum(combined @ W1.T + b1, 0.0)
    out = jnp.maximum(h @ W2.T + b2, 0.0)
    return out

if __name__ == "__main__":
    import jax
    _d = setup_inputs()
    print(jax.jit(kernel)(*tuple(_d.values())))

</pallas_src>

<mosaic_0001>
#map = affine_map<(d0, d1) -> (0, 0)>
#map1 = affine_map<(d0, d1) -> (0)>
module attributes {stable_mosaic.version = 14 : i64} {
  func.func @_sc_gather_body(%arg0: i32, %arg1: i32, %arg2: memref<251904x128xf32, #tpu.memory_space<hbm>>, %arg3: memref<251904x128xf32, #tpu.memory_space<hbm>>, %arg4: memref<16384xi32, #tpu.memory_space<hbm>>, %arg5: memref<16384xi32, #tpu.memory_space<hbm>>, %arg6: memref<16384x128xf32, #tpu.memory_space<hbm>>, %arg7: memref<16384x128xf32, #tpu.memory_space<hbm>>, %arg8: memref<512xi32, #tpu.memory_space<vmem>>, %arg9: memref<512x128xf32, #tpu.memory_space<vmem>>, %arg10: memref<!tpu.dma_semaphore, #tpu.memory_space<semaphore_mem>>) attributes {dimension_semantics = [#tpu.dimension_semantics<core_parallel>, #tpu.dimension_semantics<subcore_parallel>], iteration_bounds = array<i64: 2, 16>, scalar_prefetch = 0 : i64, scratch_operands = 3 : i64, tpu.core_type = #tpu.core_type<sc_vector_subcore>, window_params = [{transform_indices = #map}, {transform_indices = #map}, {transform_indices = #map1}, {transform_indices = #map1}, {transform_indices = #map}, {transform_indices = #map}]} {
    %mul3A = arith.constant 16 : i32
    %mul3A_0 = arith.muli %arg0, %mul3A : i32
    %add3A = arith.addi %mul3A_0, %arg1 : i32
    %mul3A_1 = arith.constant 512 : i32
    %mul3A_2 = arith.muli %add3A, %mul3A_1 : i32
    "tpu.region"() ({
      %run_scoped3A = tpu.sem_alloc : memref<!tpu.dma_semaphore, #tpu.memory_space<semaphore_mem>>
      %dma_start3A_1211 = tpu.memref_slice %arg4[%mul3A_2] : memref<16384xi32, #tpu.memory_space<hbm>> -> memref<512xi32, #tpu.memory_space<hbm>>
      %dma_start3A_1212 = tpu.memref_slice %arg4[%mul3A_2] : memref<16384xi32, #tpu.memory_space<hbm>> -> memref<512xi32, #tpu.memory_space<hbm>>
      tpu.enqueue_dma source(%dma_start3A_1212 : memref<512xi32, #tpu.memory_space<hbm>>) target(%arg8 : memref<512xi32, #tpu.memory_space<vmem>>) target_semaphore(%run_scoped3A : memref<!tpu.dma_semaphore, #tpu.memory_space<semaphore_mem>>)
      %dma_wait3A_1213 = tpu.memref_slice %arg4[%mul3A_2] : memref<16384xi32, #tpu.memory_space<hbm>> -> memref<512xi32, #tpu.memory_space<hbm>>
      %dma_wait3A_1214 = tpu.memref_slice %arg4[%mul3A_2] : memref<16384xi32, #tpu.memory_space<hbm>> -> memref<512xi32, #tpu.memory_space<hbm>>
      tpu.wait_dma2 semaphore(%run_scoped3A : memref<!tpu.dma_semaphore, #tpu.memory_space<semaphore_mem>>) src(%dma_wait3A_1214 : memref<512xi32, #tpu.memory_space<hbm>>) dst(%arg8 : memref<512xi32, #tpu.memory_space<vmem>>)
      tpu.yield
    }) : () -> ()
    %get3A = arith.constant 0 : index
    %get3A_3 = tpu.vector_load %arg8[%get3A] {strides = array<i32>} : memref<512xi32, #tpu.memory_space<vmem>>, vector<16xi32>,
    %get3A_4 = vector.shape_cast %get3A_3 : vector<16xi32> to vector<16xi32>
    %shift_right_logical3A = arith.constant 9 : i32
    %shift_right_logical3A_5 = vector.broadcast %shift_right_logical3A : i32 to vector<16xi32>
    %shift_right_logical3A_6 = arith.shrui %get3A_4, %shift_right_logical3A_5 : vector<16xi32>
    %shift_left3A = arith.constant 7 : i32
    %shift_left3A_7 = vector.broadcast %shift_left3A : i32 to vector<16xi32>
    %shift_left3A_8 = arith.shli %shift_right_logical3A_6, %shift_left3A_7 : vector<16xi32>
    %and3A = arith.constant 127 : i32
    %and3A_9 = vector.broadcast %and3A : i32 to vector<16xi32>
    %and3A_10 = arith.andi %get3A_4, %and3A_9 : vector<16xi32>
    %or3A = arith.ori %shift_left3A_8, %and3A_10 : vector<16xi32>
    %swap3A = arith.constant 0 : index
    %swap3A_11 = tpu.vector_load %arg8[%swap3A] {strides = array<i32>} : memref<512xi32, #tpu.memory_space<vmem>>, vector<16xi32>,
    %swap3A_12 = vector.shape_cast %swap3A_11 : vector<16xi32> to vector<16xi32>
    %swap3A_13 = vector.shape_cast %or3A : vector<16xi32> to vector<16xi32>
    tpu.vector_store %arg8[%swap3A], %swap3A_13 {strides = array<i32>} : memref<512xi32, #tpu.memory_space<vmem>>, vector<16xi32>,
    %get3A_14 = arith.constant 16 : index
    %get3A_15 = tpu.vector_load %arg8[%get3A_14] {strides = array<i32>} : memref<512xi32, #tpu.memory_space<vmem>>, vector<16xi32>,
    %get3A_16 = vector.shape_cast %get3A_15 : vector<16xi32> to vector<16xi32>
    %shift_right_logical3A_17 = arith.constant 9 : i32
    %shift_right_logical3A_18 = vector.broadcast %shift_right_logical3A_17 : i32 to vector<16xi32>
    %shift_right_logical3A_19 = arith.shrui %get3A_16, %shift_right_logical3A_18 : vector<16xi32>
    %shift_left3A_20 = arith.constant 7 : i32
    %shift_left3A_21 = vector.broadcast %shift_left3A_20 : i32 to vector<16xi32>
    %shift_left3A_22 = arith.shli %shift_right_logical3A_19, %shift_left3A_21 : vector<16xi32>
    %and3A_23 = arith.constant 127 : i32
    %and3A_24 = vector.broadcast %and3A_23 : i32 to vector<16xi32>
    %and3A_25 = arith.andi %get3A_16, %and3A_24 : vector<16xi32>
    %or3A_26 = arith.ori %shift_left3A_22, %and3A_25 : vector<16xi32>
    %swap3A_27 = arith.constant 16 : index
    %swap3A_28 = tpu.vector_load %arg8[%swap3A_27] {strides = array<i32>} : memref<512xi32, #tpu.memory_space<vmem>>, vector<16xi32>,
    %swap3A_29 = vector.shape_cast %swap3A_28 : vector<16xi32> to vector<16xi32>
    %swap3A_30 = vector.shape_cast %or3A_26 : vector<16xi32> to vector<16xi32>
    tpu.vector_store %arg8[%swap3A_27], %swap3A_30 {strides = array<i32>} : memref<512xi32, #tpu.memory_space<vmem>>, vector<16xi32>,
    %get3A_31 = arith.constant 32 : index
    %get3A_32 = tpu.vector_load %arg8[%get3A_31] {strides = array<i32>} : memref<512xi32, #tpu.memory_space<vmem>>, vector<16xi32>,
    %get3A_33 = vector.shape_cast %get3A_32 : vector<16xi32> to vector<16xi32>
    %shift_right_logical3A_34 = arith.constant 9 : i32
    %shift_right_logical3A_35 = vector.broadcast %shift_right_logical3A_34 : i32 to vector<16xi32>
    %shift_right_logical3A_36 = arith.shrui %get3A_33, %shift_right_logical3A_35 : vector<16xi32>
    %shift_left3A_37 = arith.constant 7 : i32
    %shift_left3A_38 = vector.broadcast %shift_left3A_37 : i32 to vector<16xi32>
    %shift_left3A_39 = arith.shli %shift_right_logical3A_36, %shift_left3A_38 : vector<16xi32>
    %and3A_40 = arith.constant 127 : i32
    %and3A_41 = vector.broadcast %and3A_40 : i32 to vector<16xi32>
    %and3A_42 = arith.andi %get3A_33, %and3A_41 : vector<16xi32>
    %or3A_43 = arith.ori %shift_left3A_39, %and3A_42 : vector<16xi32>
    %swap3A_44 = arith.constant 32 : index
    %swap3A_45 = tpu.vector_load %arg8[%swap3A_44] {strides = array<i32>} : memref<512xi32, #tpu.memory_space<vmem>>, vector<16xi32>,
    %swap3A_46 = vector.shape_cast %swap3A_45 : vector<16xi32> to vector<16xi32>
    %swap3A_47 = vector.shape_cast %or3A_43 : vector<16xi32> to vector<16xi32>
    tpu.vector_store %arg8[%swap3A_44], %swap3A_47 {strides = array<i32>} : memref<512xi32, #tpu.memory_space<vmem>>, vector<16xi32>,
    %get3A_48 = arith.constant 48 : index
    %get3A_49 = tpu.vector_load %arg8[%get3A_48] {strides = array<i32>} : memref<512xi32, #tpu.memory_space<vmem>>, vector<16xi32>,
    %get3A_50 = vector.shape_cast %get3A_49 : vector<16xi32> to vector<16xi32>
    %shift_right_logical3A_51 = arith.constant 9 : i32
    %shift_right_logical3A_52 = vector.broadcast %shift_right_logical3A_51 : i32 to vector<16xi32>
    %shift_right_logical3A_53 = arith.shrui %get3A_50, %shift_right_logical3A_52 : vector<16xi32>
    %shift_left3A_54 = arith.constant 7 : i32
    %shift_left3A_55 = vector.broadcast %shift_left3A_54 : i32 to vector<16xi32>
    %shift_left3A_56 = arith.shli %shift_right_logical3A_53, %shift_left3A_55 : vector<16xi32>
    %and3A_57 = arith.constant 127 : i32
    %and3A_58 = vector.broadcast %and3A_57 : i32 to vector<16xi32>
    %and3A_59 = arith.andi %get3A_50, %and3A_58 : vector<16xi32>
    %or3A_60 = arith.ori %shift_left3A_56, %and3A_59 : vector<16xi32>
    %swap3A_61 = arith.constant 48 : index
    %swap3A_62 = tpu.vector_load %arg8[%swap3A_61] {strides = array<i32>} : memref<512xi32, #tpu.memory_space<vmem>>, vector<16xi32>,
    %swap3A_63 = vector.shape_cast %swap3A_62 : vector<16xi32> to vector<16xi32>
    %swap3A_64 = vector.shape_cast %or3A_60 : vector<16xi32> to vector<16xi32>
    tpu.vector_store %arg8[%swap3A_61], %swap3A_64 {strides = array<i32>} : memref<512xi32, #tpu.memory_space<vmem>>, vector<16xi32>,
    %get3A_65 = arith.constant 64 : index
    %get3A_66 = tpu.vector_load %arg8[%get3A_65] {strides = array<i32>} : memref<512xi32, #tpu.memory_space<vmem>>, vector<16xi32>,
    %get3A_67 = vector.shape_cast %get3A_66 : vector<16xi32> to vector<16xi32>
    %shift_right_logical3A_68 = arith.constant 9 : i32
    %shift_right_logical3A_69 = vector.broadcast %shift_right_logical3A_68 : i32 to vector<16xi32>
    %shift_right_logical3A_70 = arith.shrui %get3A_67, %shift_right_logical3A_69 : vector<16xi32>
    %shift_left3A_71 = arith.constant 7 : i32
    %shift_left3A_72 = vector.broadcast %shift_left3A_71 : i32 to vector<16xi32>
    %shift_left3A_73 = arith.shli %shift_right_logical3A_70, %shift_left3A_72 : vector<16xi32>
    %and3A_74 = arith.constant 127 : i32
    %and3A_75 = vector.broadcast %and3A_74 : i32 to vector<16xi32>
    %and3A_76 = arith.andi %get3A_67, %and3A_75 : vector<16xi32>
    %or3A_77 = arith.ori %shift_left3A_73, %and3A_76 : vector<16xi32>
    %swap3A_78 = arith.constant 64 : index
    %swap3A_79 = tpu.vector_load %arg8[%swap3A_78] {strides = array<i32>} : memref<512xi32, #tpu.memory_space<vmem>>, vector<16xi32>,
    %swap3A_80 = vector.shape_cast %swap3A_79 : vector<16xi32> to vector<16xi32>
    %swap3A_81 = vector.shape_cast %or3A_77 : vector<16xi32> to vector<16xi32>
    tpu.vector_store %arg8[%swap3A_78], %swap3A_81 {strides = array<i32>} : memref<512xi32, #tpu.memory_space<vmem>>, vector<16xi32>,
    %get3A_82 = arith.constant 80 : index
    %get3A_83 = tpu.vector_load %arg8[%get3A_82] {strides = array<i32>} : memref<512xi32, #tpu.memory_space<vmem>>, vector<16xi32>,
    %get3A_84 = vector.shape_cast %get3A_83 : vector<16xi32> to vector<16xi32>
    %shift_right_logical3A_85 = arith.constant 9 : i32
    %shift_right_logical3A_86 = vector.broadcast %shift_right_logical3A_85 : i32 to vector<16xi32>
    %shift_right_logical3A_87 = arith.shrui %get3A_84, %shift_right_logical3A_86 : vector<16xi32>
    %shift_left3A_88 = arith.constant 7 : i32
    %shift_left3A_89 = vector.broadcast %shift_left3A_88 : i32 to vector<16xi32>
    %shift_left3A_90 = arith.shli %shift_right_logical3A_87, %shift_left3A_89 : vector<16xi32>
    %and3A_91 = arith.constant 127 : i32
    %and3A_92 = vector.broadcast %and3A_91 : i32 to vector<16xi32>
    %and3A_93 = arith.andi %get3A_84, %and3A_92 : vector<16xi32>
    %or3A_94 = arith.ori %shift_left3A_90, %and3A_93 : vector<16xi32>
    %swap3A_95 = arith.constant 80 : index
    %swap3A_96 = tpu.vector_load %arg8[%swap3A_95] {strides = array<i32>} : memref<512xi32, #tpu.memory_space<vmem>>, vector<16xi32>,
    %swap3A_97 = vector.shape_cast %swap3A_96 : vector<16xi32> to vector<16xi32>
    %swap3A_98 = vector.shape_cast %or3A_94 : vector<16xi32> to vector<16xi32>
    tpu.vector_store %arg8[%swap3A_95], %swap3A_98 {strides = array<i32>} : memref<512xi32, #tpu.memory_space<vmem>>, vector<16xi32>,
    %get3A_99 = arith.constant 96 : index
    %get3A_100 = tpu.vector_load %arg8[%get3A_99] {strides = array<i32>} : memref<512xi32, #tpu.memory_space<vmem>>, vector<16xi32>,
    %get3A_101 = vector.shape_cast %get3A_100 : vector<16xi32> to vector<16xi32>
    %shift_right_logical3A_102 = arith.constant 9 : i32
    %shift_right_logical3A_103 = vector.broadcast %shift_right_logical3A_102 : i32 to vector<16xi32>
    %shift_right_logical3A_104 = arith.shrui %get3A_101, %shift_right_logical3A_103 : vector<16xi32>
    %shift_left3A_105 = arith.constant 7 : i32
    %shift_left3A_106 = vector.broadcast %shift_left3A_105 : i32 to vector<16xi32>
    %shift_left3A_107 = arith.shli %shift_right_logical3A_104, %shift_left3A_106 : vector<16xi32>
    %and3A_108 = arith.constant 127 : i32
    %and3A_109 = vector.broadcast %and3A_108 : i32 to vector<16xi32>
    %and3A_110 = arith.andi %get3A_101, %and3A_109 : vector<16xi32>
    %or3A_111 = arith.ori %shift_left3A_107, %and3A_110 : vector<16xi32>
    %swap3A_112 = arith.constant 96 : index
    %swap3A_113 = tpu.vector_load %arg8[%swap3A_112] {strides = array<i32>} : memref<512xi32, #tpu.memory_space<vmem>>, vector<16xi32>,
    %swap3A_114 = vector.shape_cast %swap3A_113 : vector<16xi32> to vector<16xi32>
    %swap3A_115 = vector.shape_cast %or3A_111 : vector<16xi32> to vector<16xi32>
    tpu.vector_store %arg8[%swap3A_112], %swap3A_115 {strides = array<i32>} : memref<512xi32, #tpu.memory_space<vmem>>, vector<16xi32>,
    %get3A_116 = arith.constant 112 : index
    %get3A_117 = tpu.vector_load %arg8[%get3A_116] {strides = array<i32>} : memref<512xi32, #tpu.memory_space<vmem>>, vector<16xi32>,
    %get3A_118 = vector.shape_cast %get3A_117 : vector<16xi32> to vector<16xi32>
    %shift_right_logical3A_119 = arith.constant 9 : i32
    %shift_right_logical3A_120 = vector.broadcast %shift_right_logical3A_119 : i32 to vector<16xi32>
    %shift_right_logical3A_121 = arith.shrui %get3A_118, %shift_right_logical3A_120 : vector<16xi32>
    %shift_left3A_122 = arith.constant 7 : i32
    %shift_left3A_123 = vector.broadcast %shift_left3A_122 : i32 to vector<16xi32>
    %shift_left3A_124 = arith.shli %shift_right_logical3A_121, %shift_left3A_123 : vector<16xi32>
    %and3A_125 = arith.constant 127 : i32
    %and3A_126 = vector.broadcast %and3A_125 : i32 to vector<16xi32>
    %and3A_127 = arith.andi %get3A_118, %and3A_126 : vector<16xi32>
    %or3A_128 = arith.ori %shift_left3A_124, %and3A_127 : vector<16xi32>
    %swap3A_129 = arith.constant 112 : index
    %swap3A_130 = tpu.vector_load %arg8[%swap3A_129] {strides = array<i32>} : memref<512xi32, #tpu.memory_space<vmem>>, vector<16xi32>,
    %swap3A_131 = vector.shape_cast %swap3A_130 : vector<16xi32> to vector<16xi32>
    %swap3A_132 = vector.shape_cast %or3A_128 : vector<16xi32> to vector<16xi32>
    tpu.vector_store %arg8[%swap3A_129], %swap3A_132 {strides = array<i32>} : memref<512xi32, #tpu.memory_space<vmem>>, vector<16xi32>,
    %get3A_133 = arith.constant 128 : index
    %get3A_134 = tpu.vector_load %arg8[%get3A_133] {strides = array<i32>} : memref<512xi32, #tpu.memory_space<vmem>>, vector<16xi32>,
    %get3A_135 = vector.shape_cast %get3A_134 : vector<16xi32> to vector<16xi32>
    %shift_right_logical3A_136 = arith.constant 9 : i32
    %shift_right_logical3A_137 = vector.broadcast %shift_right_logical3A_136 : i32 to vector<16xi32>
    %shift_right_logical3A_138 = arith.shrui %get3A_135, %shift_right_logical3A_137 : vector<16xi32>
    %shift_left3A_139 = arith.constant 7 : i32
    %shift_left3A_140 = vector.broadcast %shift_left3A_139 : i32 to vector<16xi32>
    %shift_left3A_141 = arith.shli %shift_right_logical3A_138, %shift_left3A_140 : vector<16xi32>
    %and3A_142 = arith.constant 127 : i32
    %and3A_143 = vector.broadcast %and3A_142 : i32 to vector<16xi32>
    %and3A_144 = arith.andi %get3A_135, %and3A_143 : vector<16xi32>
    %or3A_145 = arith.ori %shift_left3A_141, %and3A_144 : vector<16xi32>
    %swap3A_146 = arith.constant 128 : index
    %swap3A_147 = tpu.vector_load %arg8[%swap3A_146] {strides = array<i32>} : memref<512xi32, #tpu.memory_space<vmem>>, vector<16xi32>,
    %swap3A_148 = vector.shape_cast %swap3A_147 : vector<16xi32> to vector<16xi32>
    %swap3A_149 = vector.shape_cast %or3A_145 : vector<16xi32> to vector<16xi32>
    tpu.vector_store %arg8[%swap3A_146], %swap3A_149 {strides = array<i32>} : memref<512xi32, #tpu.memory_space<vmem>>, vector<16xi32>,
    %get3A_150 = arith.constant 144 : index
    %get3A_151 = tpu.vector_load %arg8[%get3A_150] {strides = array<i32>} : memref<512xi32, #tpu.memory_space<vmem>>, vector<16xi32>,
    %get3A_152 = vector.shape_cast %get3A_151 : vector<16xi32> to vector<16xi32>
    %shift_right_logical3A_153 = arith.constant 9 : i32
    %shift_right_logical3A_154 = vector.broadcast %shift_right_logical3A_153 : i32 to vector<16xi32>
    %shift_right_logical3A_155 = arith.shrui %get3A_152, %shift_right_logical3A_154 : vector<16xi32>
    %shift_left3A_156 = arith.constant 7 : i32
    %shift_left3A_157 = vector.broadcast %shift_left3A_156 : i32 to vector<16xi32>
    %shift_left3A_158 = arith.shli %shift_right_logical3A_155, %shift_left3A_157 : vector<16xi32>
    %and3A_159 = arith.constant 127 : i32
    %and3A_160 = vector.broadcast %and3A_159 : i32 to vector<16xi32>
    %and3A_161 = arith.andi %get3A_152, %and3A_160 : vector<16xi32>
    %or3A_162 = arith.ori %shift_left3A_158, %and3A_161 : vector<16xi32>
    %swap3A_163 = arith.constant 144 : index
    %swap3A_164 = tpu.vector_load %arg8[%swap3A_163] {strides = array<i32>} : memref<512xi32, #tpu.memory_space<vmem>>, vector<16xi32>,
    %swap3A_165 = vector.shape_cast %swap3A_164 : vector<16xi32> to vector<16xi32>
    %swap3A_166 = vector.shape_cast %or3A_162 : vector<16xi32> to vector<16xi32>
    tpu.vector_store %arg8[%swap3A_163], %swap3A_166 {strides = array<i32>} : memref<512xi32, #tpu.memory_space<vmem>>, vector<16xi32>,
    %get3A_167 = arith.constant 160 : index
    %get3A_168 = tpu.vector_load %arg8[%get3A_167] {strides = array<i32>} : memref<512xi32, #tpu.memory_space<vmem>>, vector<16xi32>,
    %get3A_169 = vector.shape_cast %get3A_168 : vector<16xi32> to vector<16xi32>
    %shift_right_logical3A_170 = arith.constant 9 : i32
    %shift_right_logical3A_171 = vector.broadcast %shift_right_logical3A_170 : i32 to vector<16xi32>
    %shift_right_logical3A_172 = arith.shrui %get3A_169, %shift_right_logical3A_171 : vector<16xi32>
    %shift_left3A_173 = arith.constant 7 : i32
    %shift_left3A_174 = vector.broadcast %shift_left3A_173 : i32 to vector<16xi32>
    %shift_left3A_175 = arith.shli %shift_right_logical3A_172, %shift_left3A_174 : vector<16xi32>
    %and3A_176 = arith.constant 127 : i32
    %and3A_177 = vector.broadcast %and3A_176 : i32 to vector<16xi32>
    %and3A_178 = arith.andi %get3A_169, %and3A_177 : vector<16xi32>
    %or3A_179 = arith.ori %shift_left3A_175, %and3A_178 : vector<16xi32>
    %swap3A_180 = arith.constant 160 : index
    %swap3A_181 = tpu.vector_load %arg8[%swap3A_180] {strides = array<i32>} : memref<512xi32, #tpu.memory_space<vmem>>, vector<16xi32>,
    %swap3A_182 = vector.shape_cast %swap3A_181 : vector<16xi32> to vector<16xi32>
    %swap3A_183 = vector.shape_cast %or3A_179 : vector<16xi32> to vector<16xi32>
    tpu.vector_store %arg8[%swap3A_180], %swap3A_183 {strides = array<i32>} : memref<512xi32, #tpu.memory_space<vmem>>, vector<16xi32>,
    %get3A_184 = arith.constant 176 : index
    %get3A_185 = tpu.vector_load %arg8[%get3A_184] {strides = array<i32>} : memref<512xi32, #tpu.memory_space<vmem>>, vector<16xi32>,
    %get3A_186 = vector.shape_cast %get3A_185 : vector<16xi32> to vector<16xi32>
    %shift_right_logical3A_187 = arith.constant 9 : i32
    %shift_right_logical3A_188 = vector.broadcast %shift_right_logical3A_187 : i32 to vector<16xi32>
    %shift_right_logical3A_189 = arith.shrui %get3A_186, %shift_right_logical3A_188 : vector<16xi32>
    %shift_left3A_190 = arith.constant 7 : i32
    %shift_left3A_191 = vector.broadcast %shift_left3A_190 : i32 to vector<16xi32>
    %shift_left3A_192 = arith.shli %shift_right_logical3A_189, %shift_left3A_191 : vector<16xi32>
    %and3A_193 = arith.constant 127 : i32
    %and3A_194 = vector.broadcast %and3A_193 : i32 to vector<16xi32>
    %and3A_195 = arith.andi %get3A_186, %and3A_194 : vector<16xi32>
    %or3A_196 = arith.ori %shift_left3A_192, %and3A_195 : vector<16xi32>
    %swap3A_197 = arith.constant 176 : index
    %swap3A_198 = tpu.vector_load %arg8[%swap3A_197] {strides = array<i32>} : memref<512xi32, #tpu.memory_space<vmem>>, vector<16xi32>,
    %swap3A_199 = vector.shape_cast %swap3A_198 : vector<16xi32> to vector<16xi32>
    %swap3A_200 = vector.shape_cast %or3A_196 : vector<16xi32> to vector<16xi32>
    tpu.vector_store %arg8[%swap3A_197], %swap3A_200 {strides = array<i32>} : memref<512xi32, #tpu.memory_space<vmem>>, vector<16xi32>,
    %get3A_201 = arith.constant 192 : index
    %get3A_202 = tpu.vector_load %arg8[%get3A_201] {strides = array<i32>} : memref<512xi32, #tpu.memory_space<vmem>>, vector<16xi32>,
    %get3A_203 = vector.shape_cast %get3A_202 : vector<16xi32> to vector<16xi32>
    %shift_right_logical3A_204 = arith.constant 9 : i32
    %shift_right_logical3A_205 = vector.broadcast %shift_right_logical3A_204 : i32 to vector<16xi32>
    %shift_right_logical3A_206 = arith.shrui %get3A_203, %shift_right_logical3A_205 : vector<16xi32>
    %shift_left3A_207 = arith.constant 7 : i32
    %shift_left3A_208 = vector.broadcast %shift_left3A_207 : i32 to vector<16xi32>
    %shift_left3A_209 = arith.shli %shift_right_logical3A_206, %shift_left3A_208 : vector<16xi32>
    %and3A_210 = arith.constant 127 : i32
    %and3A_211 = vector.broadcast %and3A_210 : i32 to vector<16xi32>
    %and3A_212 = arith.andi %get3A_203, %and3A_211 : vector<16xi32>
    %or3A_213 = arith.ori %shift_left3A_209, %and3A_212 : vector<16xi32>
    %swap3A_214 = arith.constant 192 : index
    %swap3A_215 = tpu.vector_load %arg8[%swap3A_214] {strides = array<i32>} : memref<512xi32, #tpu.memory_space<vmem>>, vector<16xi32>,
    %swap3A_216 = vector.shape_cast %swap3A_215 : vector<16xi32> to vector<16xi32>
    %swap3A_217 = vector.shape_cast %or3A_213 : vector<16xi32> to vector<16xi32>
    tpu.vector_store %arg8[%swap3A_214], %swap3A_217 {strides = array<i32>} : memref<512xi32, #tpu.memory_space<vmem>>, vector<16xi32>,
    %get3A_218 = arith.constant 208 : index
    %get3A_219 = tpu.vector_load %arg8[%get3A_218] {strides = array<i32>} : memref<512xi32, #tpu.memory_space<vmem>>, vector<16xi32>,
    %get3A_220 = vector.shape_cast %get3A_219 : vector<16xi32> to vector<16xi32>
    %shift_right_logical3A_221 = arith.constant 9 : i32
    %shift_right_logical3A_222 = vector.broadcast %shift_right_logical3A_221 : i32 to vector<16xi32>
    %shift_right_logical3A_223 = arith.shrui %get3A_220, %shift_right_logical3A_222 : vector<16xi32>
    %shift_left3A_224 = arith.constant 7 : i32
    %shift_left3A_225 = vector.broadcast %shift_left3A_224 : i32 to vector<16xi32>
    %shift_left3A_226 = arith.shli %shift_right_logical3A_223, %shift_left3A_225 : vector<16xi32>
    %and3A_227 = arith.constant 127 : i32
    %and3A_228 = vector.broadcast %and3A_227 : i32 to vector<16xi32>
    %and3A_229 = arith.andi %get3A_220, %and3A_228 : vector<16xi32>
    %or3A_230 = arith.ori %shift_left3A_226, %and3A_229 : vector<16xi32>
    %swap3A_231 = arith.constant 208 : index
    %swap3A_232 = tpu.vector_load %arg8[%swap3A_231] {strides = array<i32>} : memref<512xi32, #tpu.memory_space<vmem>>, vector<16xi32>,
    %swap3A_233 = vector.shape_cast %swap3A_232 : vector<16xi32> to vector<16xi32>
    %swap3A_234 = vector.shape_cast %or3A_230 : vector<16xi32> to vector<16xi32>
    tpu.vector_store %arg8[%swap3A_231], %swap3A_234 {strides = array<i32>} : memref<512xi32, #tpu.memory_space<vmem>>, vector<16xi32>,
    %get3A_235 = arith.constant 224 : index
    %get3A_236 = tpu.vector_load %arg8[%get3A_235] {strides = array<i32>} : memref<512xi32, #tpu.memory_space<vmem>>, vector<16xi32>,
    %get3A_237 = vector.shape_cast %get3A_236 : vector<16xi32> to vector<16xi32>
    %shift_right_logical3A_238 = arith.constant 9 : i32
    %shift_right_logical3A_239 = vector.broadcast %shift_right_logical3A_238 : i32 to vector<16xi32>
    %shift_right_logical3A_240 = arith.shrui %get3A_237, %shift_right_logical3A_239 : vector<16xi32>
    %shift_left3A_241 = arith.constant 7 : i32
    %shift_left3A_242 = vector.broadcast %shift_left3A_241 : i32 to vector<16xi32>
    %shift_left3A_243 = arith.shli %shift_right_logical3A_240, %shift_left3A_242 : vector<16xi32>
    %and3A_244 = arith.constant 127 : i32
    %and3A_245 = vector.broadcast %and3A_244 : i32 to vector<16xi32>
    %and3A_246 = arith.andi %get3A_237, %and3A_245 : vector<16xi32>
    %or3A_247 = arith.ori %shift_left3A_243, %and3A_246 : vector<16xi32>
    %swap3A_248 = arith.constant 224 : index
    %swap3A_249 = tpu.vector_load %arg8[%swap3A_248] {strides = array<i32>} : memref<512xi32, #tpu.memory_space<vmem>>, vector<16xi32>,
    %swap3A_250 = vector.shape_cast %swap3A_249 : vector<16xi32> to vector<16xi32>
    %swap3A_251 = vector.shape_cast %or3A_247 : vector<16xi32> to vector<16xi32>
    tpu.vector_store %arg8[%swap3A_248], %swap3A_251 {strides = array<i32>} : memref<512xi32, #tpu.memory_space<vmem>>, vector<16xi32>,
    %get3A_252 = arith.constant 240 : index
    %get3A_253 = tpu.vector_load %arg8[%get3A_252] {strides = array<i32>} : memref<512xi32, #tpu.memory_space<vmem>>, vector<16xi32>,
    %get3A_254 = vector.shape_cast %get3A_253 : vector<16xi32> to vector<16xi32>
    %shift_right_logical3A_255 = arith.constant 9 : i32
    %shift_right_logical3A_256 = vector.broadcast %shift_right_logical3A_255 : i32 to vector<16xi32>
    %shift_right_logical3A_257 = arith.shrui %get3A_254, %shift_right_logical3A_256 : vector<16xi32>
    %shift_left3A_258 = arith.constant 7 : i32
    %shift_left3A_259 = vector.broadcast %shift_left3A_258 : i32 to vector<16xi32>
    %shift_left3A_260 = arith.shli %shift_right_logical3A_257, %shift_left3A_259 : vector<16xi32>
    %and3A_261 = arith.constant 127 : i32
    %and3A_262 = vector.broadcast %and3A_261 : i32 to vector<16xi32>
    %and3A_263 = arith.andi %get3A_254, %and3A_262 : vector<16xi32>
    %or3A_264 = arith.ori %shift_left3A_260, %and3A_263 : vector<16xi32>
    %swap3A_265 = arith.constant 240 : index
    %swap3A_266 = tpu.vector_load %arg8[%swap3A_265] {strides = array<i32>} : memref<512xi32, #tpu.memory_space<vmem>>, vector<16xi32>,
    %swap3A_267 = vector.shape_cast %swap3A_266 : vector<16xi32> to vector<16xi32>
    %swap3A_268 = vector.shape_cast %or3A_264 : vector<16xi32> to vector<16xi32>
    tpu.vector_store %arg8[%swap3A_265], %swap3A_268 {strides = array<i32>} : memref<512xi32, #tpu.memory_space<vmem>>, vector<16xi32>,
    %get3A_269 = arith.constant 256 : index
    %get3A_270 = tpu.vector_load %arg8[%get3A_269] {strides = array<i32>} : memref<512xi32, #tpu.memory_space<vmem>>, vector<16xi32>,
    %get3A_271 = vector.shape_cast %get3A_270 : vector<16xi32> to vector<16xi32>
    %shift_right_logical3A_272 = arith.constant 9 : i32
    %shift_right_logical3A_273 = vector.broadcast %shift_right_logical3A_272 : i32 to vector<16xi32>
    %shift_right_logical3A_274 = arith.shrui %get3A_271, %shift_right_logical3A_273 : vector<16xi32>
    %shift_left3A_275 = arith.constant 7 : i32
    %shift_left3A_276 = vector.broadcast %shift_left3A_275 : i32 to vector<16xi32>
    %shift_left3A_277 = arith.shli %shift_right_logical3A_274, %shift_left3A_276 : vector<16xi32>
    %and3A_278 = arith.constant 127 : i32
    %and3A_279 = vector.broadcast %and3A_278 : i32 to vector<16xi32>
    %and3A_280 = arith.andi %get3A_271, %and3A_279 : vector<16xi32>
    %or3A_281 = arith.ori %shift_left3A_277, %and3A_280 : vector<16xi32>
    %swap3A_282 = arith.constant 256 : index
    %swap3A_283 = tpu.vector_load %arg8[%swap3A_282] {strides = array<i32>} : memref<512xi32, #tpu.memory_space<vmem>>, vector<16xi32>,
    %swap3A_284 = vector.shape_cast %swap3A_283 : vector<16xi32> to vector<16xi32>
    %swap3A_285 = vector.shape_cast %or3A_281 : vector<16xi32> to vector<16xi32>
    tpu.vector_store %arg8[%swap3A_282], %swap3A_285 {strides = array<i32>} : memref<512xi32, #tpu.memory_space<vmem>>, vector<16xi32>,
    %get3A_286 = arith.constant 272 : index
    %get3A_287 = tpu.vector_load %arg8[%get3A_286] {strides = array<i32>} : memref<512xi32, #tpu.memory_space<vmem>>, vector<16xi32>,
    %get3A_288 = vector.shape_cast %get3A_287 : vector<16xi32> to vector<16xi32>
    %shift_right_logical3A_289 = arith.constant 9 : i32
    %shift_right_logical3A_290 = vector.broadcast %shift_right_logical3A_289 : i32 to vector<16xi32>
    %shift_right_logical3A_291 = arith.shrui %get3A_288, %shift_right_logical3A_290 : vector<16xi32>
    %shift_left3A_292 = arith.constant 7 : i32
    %shift_left3A_293 = vector.broadcast %shift_left3A_292 : i32 to vector<16xi32>
    %shift_left3A_294 = arith.shli %shift_right_logical3A_291, %shift_left3A_293 : vector<16xi32>
    %and3A_295 = arith.constant 127 : i32
    %and3A_296 = vector.broadcast %and3A_295 : i32 to vector<16xi32>
    %and3A_297 = arith.andi %get3A_288, %and3A_296 : vector<16xi32>
    %or3A_298 = arith.ori %shift_left3A_294, %and3A_297 : vector<16xi32>
    %swap3A_299 = arith.constant 272 : index
    %swap3A_300 = tpu.vector_load %arg8[%swap3A_299] {strides = array<i32>} : memref<512xi32, #tpu.memory_space<vmem>>, vector<16xi32>,
    %swap3A_301 = vector.shape_cast %swap3A_300 : vector<16xi32> to vector<16xi32>
    %swap3A_302 = vector.shape_cast %or3A_298 : vector<16xi32> to vector<16xi32>
    tpu.vector_store %arg8[%swap3A_299], %swap3A_302 {strides = array<i32>} : memref<512xi32, #tpu.memory_space<vmem>>, vector<16xi32>,
    %get3A_303 = arith.constant 288 : index
    %get3A_304 = tpu.vector_load %arg8[%get3A_303] {strides = array<i32>} : memref<512xi32, #tpu.memory_space<vmem>>, vector<16xi32>,
    %get3A_305 = vector.shape_cast %get3A_304 : vector<16xi32> to vector<16xi32>
    %shift_right_logical3A_306 = arith.constant 9 : i32
    %shift_right_logical3A_307 = vector.broadcast %shift_right_logical3A_306 : i32 to vector<16xi32>
    %shift_right_logical3A_308 = arith.shrui %get3A_305, %shift_right_logical3A_307 : vector<16xi32>
    %shift_left3A_309 = arith.constant 7 : i32
    %shift_left3A_310 = vector.broadcast %shift_left3A_309 : i32 to vector<16xi32>
    %shift_left3A_311 = arith.shli %shift_right_logical3A_308, %shift_left3A_310 : vector<16xi32>
    %and3A_312 = arith.constant 127 : i32
    %and3A_313 = vector.broadcast %and3A_312 : i32 to vector<16xi32>
    %and3A_314 = arith.andi %get3A_305, %and3A_313 : vector<16xi32>
    %or3A_315 = arith.ori %shift_left3A_311, %and3A_314 : vector<16xi32>
    %swap3A_316 = arith.constant 288 : index
    %swap3A_317 = tpu.vector_load %arg8[%swap3A_316] {strides = array<i32>} : memref<512xi32, #tpu.memory_space<vmem>>, vector<16xi32>,
    %swap3A_318 = vector.shape_cast %swap3A_317 : vector<16xi32> to vector<16xi32>
    %swap3A_319 = vector.shape_cast %or3A_315 : vector<16xi32> to vector<16xi32>
    tpu.vector_store %arg8[%swap3A_316], %swap3A_319 {strides = array<i32>} : memref<512xi32, #tpu.memory_space<vmem>>, vector<16xi32>,
    %get3A_320 = arith.constant 304 : index
    %get3A_321 = tpu.vector_load %arg8[%get3A_320] {strides = array<i32>} : memref<512xi32, #tpu.memory_space<vmem>>, vector<16xi32>,
    %get3A_322 = vector.shape_cast %get3A_321 : vector<16xi32> to vector<16xi32>
    %shift_right_logical3A_323 = arith.constant 9 : i32
    %shift_right_logical3A_324 = vector.broadcast %shift_right_logical3A_323 : i32 to vector<16xi32>
    %shift_right_logical3A_325 = arith.shrui %get3A_322, %shift_right_logical3A_324 : vector<16xi32>
    %shift_left3A_326 = arith.constant 7 : i32
    %shift_left3A_327 = vector.broadcast %shift_left3A_326 : i32 to vector<16xi32>
    %shift_left3A_328 = arith.shli %shift_right_logical3A_325, %shift_left3A_327 : vector<16xi32>
    %and3A_329 = arith.constant 127 : i32
    %and3A_330 = vector.broadcast %and3A_329 : i32 to vector<16xi32>
    %and3A_331 = arith.andi %get3A_322, %and3A_330 : vector<16xi32>
    %or3A_332 = arith.ori %shift_left3A_328, %and3A_331 : vector<16xi32>
    %swap3A_333 = arith.constant 304 : index
    %swap3A_334 = tpu.vector_load %arg8[%swap3A_333] {strides = array<i32>} : memref<512xi32, #tpu.memory_space<vmem>>, vector<16xi32>,
    %swap3A_335 = vector.shape_cast %swap3A_334 : vector<16xi32> to vector<16xi32>
    %swap3A_336 = vector.shape_cast %or3A_332 : vector<16xi32> to vector<16xi32>
    tpu.vector_store %arg8[%swap3A_333], %swap3A_336 {strides = array<i32>} : memref<512xi32, #tpu.memory_space<vmem>>, vector<16xi32>,
    %get3A_337 = arith.constant 320 : index
    %get3A_338 = tpu.vector_load %arg8[%get3A_337] {strides = array<i32>} : memref<512xi32, #tpu.memory_space<vmem>>, vector<16xi32>,
    %get3A_339 = vector.shape_cast %get3A_338 : vector<16xi32> to vector<16xi32>
    %shift_right_logical3A_340 = arith.constant 9 : i32
    %shift_right_logical3A_341 = vector.broadcast %shift_right_logical3A_340 : i32 to vector<16xi32>
    %shift_right_logical3A_342 = arith.shrui %get3A_339, %shift_right_logical3A_341 : vector<16xi32>
    %shift_left3A_343 = arith.constant 7 : i32
    %shift_left3A_344 = vector.broadcast %shift_left3A_343 : i32 to vector<16xi32>
    %shift_left3A_345 = arith.shli %shift_right_logical3A_342, %shift_left3A_344 : vector<16xi32>
    %and3A_346 = arith.constant 127 : i32
    %and3A_347 = vector.broadcast %and3A_346 : i32 to vector<16xi32>
    %and3A_348 = arith.andi %get3A_339, %and3A_347 : vector<16xi32>
    %or3A_349 = arith.ori %shift_left3A_345, %and3A_348 : vector<16xi32>
    %swap3A_350 = arith.constant 320 : index
    %swap3A_351 = tpu.vector_load %arg8[%swap3A_350] {strides = array<i32>} : memref<512xi32, #tpu.memory_space<vmem>>, vector<16xi32>,
    %swap3A_352 = vector.shape_cast %swap3A_351 : vector<16xi32> to vector<16xi32>
    %swap3A_353 = vector.shape_cast %or3A_349 : vector<16xi32> to vector<16xi32>
    tpu.vector_store %arg8[%swap3A_350], %swap3A_353 {strides = array<i32>} : memref<512xi32, #tpu.memory_space<vmem>>, vector<16xi32>,
    %get3A_354 = arith.constant 336 : index
    %get3A_355 = tpu.vector_load %arg8[%get3A_354] {strides = array<i32>} : memref<512xi32, #tpu.memory_space<vmem>>, vector<16xi32>,
    %get3A_356 = vector.shape_cast %get3A_355 : vector<16xi32> to vector<16xi32>
    %shift_right_logical3A_357 = arith.constant 9 : i32
    %shift_right_logical3A_358 = vector.broadcast %shift_right_logical3A_357 : i32 to vector<16xi32>
    %shift_right_logical3A_359 = arith.shrui %get3A_356, %shift_right_logical3A_358 : vector<16xi32>
    %shift_left3A_360 = arith.constant 7 : i32
    %shift_left3A_361 = vector.broadcast %shift_left3A_360 : i32 to vector<16xi32>
    %shift_left3A_362 = arith.shli %shift_right_logical3A_359, %shift_left3A_361 : vector<16xi32>
    %and3A_363 = arith.constant 127 : i32
    %and3A_364 = vector.broadcast %and3A_363 : i32 to vector<16xi32>
    %and3A_365 = arith.andi %get3A_356, %and3A_364 : vector<16xi32>
    %or3A_366 = arith.ori %shift_left3A_362, %and3A_365 : vector<16xi32>
    %swap3A_367 = arith.constant 336 : index
    %swap3A_368 = tpu.vector_load %arg8[%swap3A_367] {strides = array<i32>} : memref<512xi32, #tpu.memory_space<vmem>>, vector<16xi32>,
    %swap3A_369 = vector.shape_cast %swap3A_368 : vector<16xi32> to vector<16xi32>
    %swap3A_370 = vector.shape_cast %or3A_366 : vector<16xi32> to vector<16xi32>
    tpu.vector_store %arg8[%swap3A_367], %swap3A_370 {strides = array<i32>} : memref<512xi32, #tpu.memory_space<vmem>>, vector<16xi32>,
    %get3A_371 = arith.constant 352 : index
    %get3A_372 = tpu.vector_load %arg8[%get3A_371] {strides = array<i32>} : memref<512xi32, #tpu.memory_space<vmem>>, vector<16xi32>,
    %get3A_373 = vector.shape_cast %get3A_372 : vector<16xi32> to vector<16xi32>
    %shift_right_logical3A_374 = arith.constant 9 : i32
    %shift_right_logical3A_375 = vector.broadcast %shift_right_logical3A_374 : i32 to vector<16xi32>
    %shift_right_logical3A_376 = arith.shrui %get3A_373, %shift_right_logical3A_375 : vector<16xi32>
    %shift_left3A_377 = arith.constant 7 : i32
    %shift_left3A_378 = vector.broadcast %shift_left3A_377 : i32 to vector<16xi32>
    %shift_left3A_379 = arith.shli %shift_right_logical3A_376, %shift_left3A_378 : vector<16xi32>
    %and3A_380 = arith.constant 127 : i32
    %and3A_381 = vector.broadcast %and3A_380 : i32 to vector<16xi32>
    %and3A_382 = arith.andi %get3A_373, %and3A_381 : vector<16xi32>
    %or3A_383 = arith.ori %shift_left3A_379, %and3A_382 : vector<16xi32>
    %swap3A_384 = arith.constant 352 : index
    %swap3A_385 = tpu.vector_load %arg8[%swap3A_384] {strides = array<i32>} : memref<512xi32, #tpu.memory_space<vmem>>, vector<16xi32>,
    %swap3A_386 = vector.shape_cast %swap3A_385 : vector<16xi32> to vector<16xi32>
    %swap3A_387 = vector.shape_cast %or3A_383 : vector<16xi32> to vector<16xi32>
    tpu.vector_store %arg8[%swap3A_384], %swap3A_387 {strides = array<i32>} : memref<512xi32, #tpu.memory_space<vmem>>, vector<16xi32>,
    %get3A_388 = arith.constant 368 : index
    %get3A_389 = tpu.vector_load %arg8[%get3A_388] {strides = array<i32>} : memref<512xi32, #tpu.memory_space<vmem>>, vector<16xi32>,
    %get3A_390 = vector.shape_cast %get3A_389 : vector<16xi32> to vector<16xi32>
    %shift_right_logical3A_391 = arith.constant 9 : i32
    %shift_right_logical3A_392 = vector.broadcast %shift_right_logical3A_391 : i32 to vector<16xi32>
    %shift_right_logical3A_393 = arith.shrui %get3A_390, %shift_right_logical3A_392 : vector<16xi32>
    %shift_left3A_394 = arith.constant 7 : i32
    %shift_left3A_395 = vector.broadcast %shift_left3A_394 : i32 to vector<16xi32>
    %shift_left3A_396 = arith.shli %shift_right_logical3A_393, %shift_left3A_395 : vector<16xi32>
    %and3A_397 = arith.constant 127 : i32
    %and3A_398 = vector.broadcast %and3A_397 : i32 to vector<16xi32>
    %and3A_399 = arith.andi %get3A_390, %and3A_398 : vector<16xi32>
    %or3A_400 = arith.ori %shift_left3A_396, %and3A_399 : vector<16xi32>
    %swap3A_401 = arith.constant 368 : index
    %swap3A_402 = tpu.vector_load %arg8[%swap3A_401] {strides = array<i32>} : memref<512xi32, #tpu.memory_space<vmem>>, vector<16xi32>,
    %swap3A_403 = vector.shape_cast %swap3A_402 : vector<16xi32> to vector<16xi32>
    %swap3A_404 = vector.shape_cast %or3A_400 : vector<16xi32> to vector<16xi32>
    tpu.vector_store %arg8[%swap3A_401], %swap3A_404 {strides = array<i32>} : memref<512xi32, #tpu.memory_space<vmem>>, vector<16xi32>,
    %get3A_405 = arith.constant 384 : index
    %get3A_406 = tpu.vector_load %arg8[%get3A_405] {strides = array<i32>} : memref<512xi32, #tpu.memory_space<vmem>>, vector<16xi32>,
    %get3A_407 = vector.shape_cast %get3A_406 : vector<16xi32> to vector<16xi32>
    %shift_right_logical3A_408 = arith.constant 9 : i32
    %shift_right_logical3A_409 = vector.broadcast %shift_right_logical3A_408 : i32 to vector<16xi32>
    %shift_right_logical3A_410 = arith.shrui %get3A_407, %shift_right_logical3A_409 : vector<16xi32>
    %shift_left3A_411 = arith.constant 7 : i32
    %shift_left3A_412 = vector.broadcast %shift_left3A_411 : i32 to vector<16xi32>
    %shift_left3A_413 = arith.shli %shift_right_logical3A_410, %shift_left3A_412 : vector<16xi32>
    %and3A_414 = arith.constant 127 : i32
    %and3A_415 = vector.broadcast %and3A_414 : i32 to vector<16xi32>
    %and3A_416 = arith.andi %get3A_407, %and3A_415 : vector<16xi32>
    %or3A_417 = arith.ori %shift_left3A_413, %and3A_416 : vector<16xi32>
    %swap3A_418 = arith.constant 384 : index
    %swap3A_419 = tpu.vector_load %arg8[%swap3A_418] {strides = array<i32>} : memref<512xi32, #tpu.memory_space<vmem>>, vector<16xi32>,
    %swap3A_420 = vector.shape_cast %swap3A_419 : vector<16xi32> to vector<16xi32>
    %swap3A_421 = vector.shape_cast %or3A_417 : vector<16xi32> to vector<16xi32>
    tpu.vector_store %arg8[%swap3A_418], %swap3A_421 {strides = array<i32>} : memref<512xi32, #tpu.memory_space<vmem>>, vector<16xi32>,
    %get3A_422 = arith.constant 400 : index
    %get3A_423 = tpu.vector_load %arg8[%get3A_422] {strides = array<i32>} : memref<512xi32, #tpu.memory_space<vmem>>, vector<16xi32>,
    %get3A_424 = vector.shape_cast %get3A_423 : vector<16xi32> to vector<16xi32>
    %shift_right_logical3A_425 = arith.constant 9 : i32
    %shift_right_logical3A_426 = vector.broadcast %shift_right_logical3A_425 : i32 to vector<16xi32>
    %shift_right_logical3A_427 = arith.shrui %get3A_424, %shift_right_logical3A_426 : vector<16xi32>
    %shift_left3A_428 = arith.constant 7 : i32
    %shift_left3A_429 = vector.broadcast %shift_left3A_428 : i32 to vector<16xi32>
    %shift_left3A_430 = arith.shli %shift_right_logical3A_427, %shift_left3A_429 : vector<16xi32>
    %and3A_431 = arith.constant 127 : i32
    %and3A_432 = vector.broadcast %and3A_431 : i32 to vector<16xi32>
    %and3A_433 = arith.andi %get3A_424, %and3A_432 : vector<16xi32>
    %or3A_434 = arith.ori %shift_left3A_430, %and3A_433 : vector<16xi32>
    %swap3A_435 = arith.constant 400 : index
    %swap3A_436 = tpu.vector_load %arg8[%swap3A_435] {strides = array<i32>} : memref<512xi32, #tpu.memory_space<vmem>>, vector<16xi32>,
    %swap3A_437 = vector.shape_cast %swap3A_436 : vector<16xi32> to vector<16xi32>
    %swap3A_438 = vector.shape_cast %or3A_434 : vector<16xi32> to vector<16xi32>
    tpu.vector_store %arg8[%swap3A_435], %swap3A_438 {strides = array<i32>} : memref<512xi32, #tpu.memory_space<vmem>>, vector<16xi32>,
    %get3A_439 = arith.constant 416 : index
    %get3A_440 = tpu.vector_load %arg8[%get3A_439] {strides = array<i32>} : memref<512xi32, #tpu.memory_space<vmem>>, vector<16xi32>,
    %get3A_441 = vector.shape_cast %get3A_440 : vector<16xi32> to vector<16xi32>
    %shift_right_logical3A_442 = arith.constant 9 : i32
    %shift_right_logical3A_443 = vector.broadcast %shift_right_logical3A_442 : i32 to vector<16xi32>
    %shift_right_logical3A_444 = arith.shrui %get3A_441, %shift_right_logical3A_443 : vector<16xi32>
    %shift_left3A_445 = arith.constant 7 : i32
    %shift_left3A_446 = vector.broadcast %shift_left3A_445 : i32 to vector<16xi32>
    %shift_left3A_447 = arith.shli %shift_right_logical3A_444, %shift_left3A_446 : vector<16xi32>
    %and3A_448 = arith.constant 127 : i32
    %and3A_449 = vector.broadcast %and3A_448 : i32 to vector<16xi32>
    %and3A_450 = arith.andi %get3A_441, %and3A_449 : vector<16xi32>
    %or3A_451 = arith.ori %shift_left3A_447, %and3A_450 : vector<16xi32>
    %swap3A_452 = arith.constant 416 : index
    %swap3A_453 = tpu.vector_load %arg8[%swap3A_452] {strides = array<i32>} : memref<512xi32, #tpu.memory_space<vmem>>, vector<16xi32>,
    %swap3A_454 = vector.shape_cast %swap3A_453 : vector<16xi32> to vector<16xi32>
    %swap3A_455 = vector.shape_cast %or3A_451 : vector<16xi32> to vector<16xi32>
    tpu.vector_store %arg8[%swap3A_452], %swap3A_455 {strides = array<i32>} : memref<512xi32, #tpu.memory_space<vmem>>, vector<16xi32>,
    %get3A_456 = arith.constant 432 : index
    %get3A_457 = tpu.vector_load %arg8[%get3A_456] {strides = array<i32>} : memref<512xi32, #tpu.memory_space<vmem>>, vector<16xi32>,
    %get3A_458 = vector.shape_cast %get3A_457 : vector<16xi32> to vector<16xi32>
    %shift_right_logical3A_459 = arith.constant 9 : i32
    %shift_right_logical3A_460 = vector.broadcast %shift_right_logical3A_459 : i32 to vector<16xi32>
    %shift_right_logical3A_461 = arith.shrui %get3A_458, %shift_right_logical3A_460 : vector<16xi32>
    %shift_left3A_462 = arith.constant 7 : i32
    %shift_left3A_463 = vector.broadcast %shift_left3A_462 : i32 to vector<16xi32>
    %shift_left3A_464 = arith.shli %shift_right_logical3A_461, %shift_left3A_463 : vector<16xi32>
    %and3A_465 = arith.constant 127 : i32
    %and3A_466 = vector.broadcast %and3A_465 : i32 to vector<16xi32>
    %and3A_467 = arith.andi %get3A_458, %and3A_466 : vector<16xi32>
    %or3A_468 = arith.ori %shift_left3A_464, %and3A_467 : vector<16xi32>
    %swap3A_469 = arith.constant 432 : index
    %swap3A_470 = tpu.vector_load %arg8[%swap3A_469] {strides = array<i32>} : memref<512xi32, #tpu.memory_space<vmem>>, vector<16xi32>,
    %swap3A_471 = vector.shape_cast %swap3A_470 : vector<16xi32> to vector<16xi32>
    %swap3A_472 = vector.shape_cast %or3A_468 : vector<16xi32> to vector<16xi32>
    tpu.vector_store %arg8[%swap3A_469], %swap3A_472 {strides = array<i32>} : memref<512xi32, #tpu.memory_space<vmem>>, vector<16xi32>,
    %get3A_473 = arith.constant 448 : index
    %get3A_474 = tpu.vector_load %arg8[%get3A_473] {strides = array<i32>} : memref<512xi32, #tpu.memory_space<vmem>>, vector<16xi32>,
    %get3A_475 = vector.shape_cast %get3A_474 : vector<16xi32> to vector<16xi32>
    %shift_right_logical3A_476 = arith.constant 9 : i32
    %shift_right_logical3A_477 = vector.broadcast %shift_right_logical3A_476 : i32 to vector<16xi32>
    %shift_right_logical3A_478 = arith.shrui %get3A_475, %shift_right_logical3A_477 : vector<16xi32>
    %shift_left3A_479 = arith.constant 7 : i32
    %shift_left3A_480 = vector.broadcast %shift_left3A_479 : i32 to vector<16xi32>
    %shift_left3A_481 = arith.shli %shift_right_logical3A_478, %shift_left3A_480 : vector<16xi32>
    %and3A_482 = arith.constant 127 : i32
    %and3A_483 = vector.broadcast %and3A_482 : i32 to vector<16xi32>
    %and3A_484 = arith.andi %get3A_475, %and3A_483 : vector<16xi32>
    %or3A_485 = arith.ori %shift_left3A_481, %and3A_484 : vector<16xi32>
    %swap3A_486 = arith.constant 448 : index
    %swap3A_487 = tpu.vector_load %arg8[%swap3A_486] {strides = array<i32>} : memref<512xi32, #tpu.memory_space<vmem>>, vector<16xi32>,
    %swap3A_488 = vector.shape_cast %swap3A_487 : vector<16xi32> to vector<16xi32>
    %swap3A_489 = vector.shape_cast %or3A_485 : vector<16xi32> to vector<16xi32>
    tpu.vector_store %arg8[%swap3A_486], %swap3A_489 {strides = array<i32>} : memref<512xi32, #tpu.memory_space<vmem>>, vector<16xi32>,
    %get3A_490 = arith.constant 464 : index
    %get3A_491 = tpu.vector_load %arg8[%get3A_490] {strides = array<i32>} : memref<512xi32, #tpu.memory_space<vmem>>, vector<16xi32>,
    %get3A_492 = vector.shape_cast %get3A_491 : vector<16xi32> to vector<16xi32>
    %shift_right_logical3A_493 = arith.constant 9 : i32
    %shift_right_logical3A_494 = vector.broadcast %shift_right_logical3A_493 : i32 to vector<16xi32>
    %shift_right_logical3A_495 = arith.shrui %get3A_492, %shift_right_logical3A_494 : vector<16xi32>
    %shift_left3A_496 = arith.constant 7 : i32
    %shift_left3A_497 = vector.broadcast %shift_left3A_496 : i32 to vector<16xi32>
    %shift_left3A_498 = arith.shli %shift_right_logical3A_495, %shift_left3A_497 : vector<16xi32>
    %and3A_499 = arith.constant 127 : i32
    %and3A_500 = vector.broadcast %and3A_499 : i32 to vector<16xi32>
    %and3A_501 = arith.andi %get3A_492, %and3A_500 : vector<16xi32>
    %or3A_502 = arith.ori %shift_left3A_498, %and3A_501 : vector<16xi32>
    %swap3A_503 = arith.constant 464 : index
    %swap3A_504 = tpu.vector_load %arg8[%swap3A_503] {strides = array<i32>} : memref<512xi32, #tpu.memory_space<vmem>>, vector<16xi32>,
    %swap3A_505 = vector.shape_cast %swap3A_504 : vector<16xi32> to vector<16xi32>
    %swap3A_506 = vector.shape_cast %or3A_502 : vector<16xi32> to vector<16xi32>
    tpu.vector_store %arg8[%swap3A_503], %swap3A_506 {strides = array<i32>} : memref<512xi32, #tpu.memory_space<vmem>>, vector<16xi32>,
    %get3A_507 = arith.constant 480 : index
    %get3A_508 = tpu.vector_load %arg8[%get3A_507] {strides = array<i32>} : memref<512xi32, #tpu.memory_space<vmem>>, vector<16xi32>,
    %get3A_509 = vector.shape_cast %get3A_508 : vector<16xi32> to vector<16xi32>
    %shift_right_logical3A_510 = arith.constant 9 : i32
    %shift_right_logical3A_511 = vector.broadcast %shift_right_logical3A_510 : i32 to vector<16xi32>
    %shift_right_logical3A_512 = arith.shrui %get3A_509, %shift_right_logical3A_511 : vector<16xi32>
    %shift_left3A_513 = arith.constant 7 : i32
    %shift_left3A_514 = vector.broadcast %shift_left3A_513 : i32 to vector<16xi32>
    %shift_left3A_515 = arith.shli %shift_right_logical3A_512, %shift_left3A_514 : vector<16xi32>
    %and3A_516 = arith.constant 127 : i32
    %and3A_517 = vector.broadcast %and3A_516 : i32 to vector<16xi32>
    %and3A_518 = arith.andi %get3A_509, %and3A_517 : vector<16xi32>
    %or3A_519 = arith.ori %shift_left3A_515, %and3A_518 : vector<16xi32>
    %swap3A_520 = arith.constant 480 : index
    %swap3A_521 = tpu.vector_load %arg8[%swap3A_520] {strides = array<i32>} : memref<512xi32, #tpu.memory_space<vmem>>, vector<16xi32>,
    %swap3A_522 = vector.shape_cast %swap3A_521 : vector<16xi32> to vector<16xi32>
    %swap3A_523 = vector.shape_cast %or3A_519 : vector<16xi32> to vector<16xi32>
    tpu.vector_store %arg8[%swap3A_520], %swap3A_523 {strides = array<i32>} : memref<512xi32, #tpu.memory_space<vmem>>, vector<16xi32>,
    %get3A_524 = arith.constant 496 : index
    %get3A_525 = tpu.vector_load %arg8[%get3A_524] {strides = array<i32>} : memref<512xi32, #tpu.memory_space<vmem>>, vector<16xi32>,
    %get3A_526 = vector.shape_cast %get3A_525 : vector<16xi32> to vector<16xi32>
    %shift_right_logical3A_527 = arith.constant 9 : i32
    %shift_right_logical3A_528 = vector.broadcast %shift_right_logical3A_527 : i32 to vector<16xi32>
    %shift_right_logical3A_529 = arith.shrui %get3A_526, %shift_right_logical3A_528 : vector<16xi32>
    %shift_left3A_530 = arith.constant 7 : i32
    %shift_left3A_531 = vector.broadcast %shift_left3A_530 : i32 to vector<16xi32>
    %shift_left3A_532 = arith.shli %shift_right_logical3A_529, %shift_left3A_531 : vector<16xi32>
    %and3A_533 = arith.constant 127 : i32
    %and3A_534 = vector.broadcast %and3A_533 : i32 to vector<16xi32>
    %and3A_535 = arith.andi %get3A_526, %and3A_534 : vector<16xi32>
    %or3A_536 = arith.ori %shift_left3A_532, %and3A_535 : vector<16xi32>
    %swap3A_537 = arith.constant 496 : index
    %swap3A_538 = tpu.vector_load %arg8[%swap3A_537] {strides = array<i32>} : memref<512xi32, #tpu.memory_space<vmem>>, vector<16xi32>,
    %swap3A_539 = vector.shape_cast %swap3A_538 : vector<16xi32> to vector<16xi32>
    %swap3A_540 = vector.shape_cast %or3A_536 : vector<16xi32> to vector<16xi32>
    tpu.vector_store %arg8[%swap3A_537], %swap3A_540 {strides = array<i32>} : memref<512xi32, #tpu.memory_space<vmem>>, vector<16xi32>,
    %dma_start3A = arith.constant 0 : i32
    %dma_start3A_541 = arith.constant 0 : i32
    %dma_start3A_542 = tpu.memref_slice %arg9[%dma_start3A, %dma_start3A_541] : memref<512x128xf32, #tpu.memory_space<vmem>> -> memref<128x128xf32, #tpu.memory_space<vmem>>
    %dma_start3A_543 = arith.constant 0 : i32
    %dma_start3A_544 = tpu.memref_slice %arg8[%dma_start3A_543] : memref<512xi32, #tpu.memory_space<vmem>> -> memref<128xi32, #tpu.memory_space<vmem>>
    %dma_start3A_545 = arith.constant 0 : i32
    %dma_start3A_546 = arith.constant 0 : i32
    %dma_start3A_547 = tpu.memref_slice %arg2[%dma_start3A_545, %dma_start3A_546] : memref<251904x128xf32, #tpu.memory_space<hbm>> -> memref<251904x128xf32, #tpu.memory_space<hbm>>
    tpu.enqueue_indirect_dma source(%dma_start3A_547 : memref<251904x128xf32, #tpu.memory_space<hbm>>) target(%dma_start3A_542 : memref<128x128xf32, #tpu.memory_space<vmem>>) offsets(%dma_start3A_544 : memref<128xi32, #tpu.memory_space<vmem>>) semaphore(%arg10 : memref<!tpu.dma_semaphore, #tpu.memory_space<semaphore_mem>>)
    %dma_start3A_548 = arith.constant 128 : i32
    %dma_start3A_549 = arith.constant 0 : i32
    %dma_start3A_550 = tpu.memref_slice %arg9[%dma_start3A_548, %dma_start3A_549] : memref<512x128xf32, #tpu.memory_space<vmem>> -> memref<128x128xf32, #tpu.memory_space<vmem>>
    %dma_start3A_551 = arith.constant 128 : i32
    %dma_start3A_552 = tpu.memref_slice %arg8[%dma_start3A_551] : memref<512xi32, #tpu.memory_space<vmem>> -> memref<128xi32, #tpu.memory_space<vmem>>
    %dma_start3A_553 = arith.constant 0 : i32
    %dma_start3A_554 = arith.constant 0 : i32
    %dma_start3A_555 = tpu.memref_slice %arg2[%dma_start3A_553, %dma_start3A_554] : memref<251904x128xf32, #tpu.memory_space<hbm>> -> memref<251904x128xf32, #tpu.memory_space<hbm>>
    tpu.enqueue_indirect_dma source(%dma_start3A_555 : memref<251904x128xf32, #tpu.memory_space<hbm>>) target(%dma_start3A_550 : memref<128x128xf32, #tpu.memory_space<vmem>>) offsets(%dma_start3A_552 : memref<128xi32, #tpu.memory_space<vmem>>) semaphore(%arg10 : memref<!tpu.dma_semaphore, #tpu.memory_space<semaphore_mem>>)
    %dma_start3A_556 = arith.constant 256 : i32
    %dma_start3A_557 = arith.constant 0 : i32
    %dma_start3A_558 = tpu.memref_slice %arg9[%dma_start3A_556, %dma_start3A_557] : memref<512x128xf32, #tpu.memory_space<vmem>> -> memref<128x128xf32, #tpu.memory_space<vmem>>
    %dma_start3A_559 = arith.constant 256 : i32
    %dma_start3A_560 = tpu.memref_slice %arg8[%dma_start3A_559] : memref<512xi32, #tpu.memory_space<vmem>> -> memref<128xi32, #tpu.memory_space<vmem>>
    %dma_start3A_561 = arith.constant 0 : i32
    %dma_start3A_562 = arith.constant 0 : i32
    %dma_start3A_563 = tpu.memref_slice %arg2[%dma_start3A_561, %dma_start3A_562] : memref<251904x128xf32, #tpu.memory_space<hbm>> -> memref<251904x128xf32, #tpu.memory_space<hbm>>
    tpu.enqueue_indirect_dma source(%dma_start3A_563 : memref<251904x128xf32, #tpu.memory_space<hbm>>) target(%dma_start3A_558 : memref<128x128xf32, #tpu.memory_space<vmem>>) offsets(%dma_start3A_560 : memref<128xi32, #tpu.memory_space<vmem>>) semaphore(%arg10 : memref<!tpu.dma_semaphore, #tpu.memory_space<semaphore_mem>>)
    %dma_start3A_564 = arith.constant 384 : i32
    %dma_start3A_565 = arith.constant 0 : i32
    %dma_start3A_566 = tpu.memref_slice %arg9[%dma_start3A_564, %dma_start3A_565] : memref<512x128xf32, #tpu.memory_space<vmem>> -> memref<128x128xf32, #tpu.memory_space<vmem>>
    %dma_start3A_567 = arith.constant 384 : i32
    %dma_start3A_568 = tpu.memref_slice %arg8[%dma_start3A_567] : memref<512xi32, #tpu.memory_space<vmem>> -> memref<128xi32, #tpu.memory_space<vmem>>
    %dma_start3A_569 = arith.constant 0 : i32
    %dma_start3A_570 = arith.constant 0 : i32
    %dma_start3A_571 = tpu.memref_slice %arg2[%dma_start3A_569, %dma_start3A_570] : memref<251904x128xf32, #tpu.memory_space<hbm>> -> memref<251904x128xf32, #tpu.memory_space<hbm>>
    tpu.enqueue_indirect_dma source(%dma_start3A_571 : memref<251904x128xf32, #tpu.memory_space<hbm>>) target(%dma_start3A_566 : memref<128x128xf32, #tpu.memory_space<vmem>>) offsets(%dma_start3A_568 : memref<128xi32, #tpu.memory_space<vmem>>) semaphore(%arg10 : memref<!tpu.dma_semaphore, #tpu.memory_space<semaphore_mem>>)
    %dma_wait3A = arith.constant 0 : i32
    %dma_wait3A_572 = arith.constant 0 : i32
    %dma_wait3A_573 = tpu.memref_slice %arg9[%dma_wait3A, %dma_wait3A_572] : memref<512x128xf32, #tpu.memory_space<vmem>> -> memref<128x128xf32, #tpu.memory_space<vmem>>
    %dma_wait3A_574 = arith.constant 0 : i32
    %dma_wait3A_575 = tpu.memref_slice %arg8[%dma_wait3A_574] : memref<512xi32, #tpu.memory_space<vmem>> -> memref<128xi32, #tpu.memory_space<vmem>>
    %dma_wait3A_576 = arith.constant 0 : i32
    %dma_wait3A_577 = arith.constant 0 : i32
    %dma_wait3A_578 = tpu.memref_slice %arg2[%dma_wait3A_576, %dma_wait3A_577] : memref<251904x128xf32, #tpu.memory_space<hbm>> -> memref<251904x128xf32, #tpu.memory_space<hbm>>
    tpu.wait_indirect_dma semaphore(%arg10 : memref<!tpu.dma_semaphore, #tpu.memory_space<semaphore_mem>>) src(%dma_wait3A_578 : memref<251904x128xf32, #tpu.memory_space<hbm>>) dst(%dma_wait3A_573 : memref<128x128xf32, #tpu.memory_space<vmem>>)
    %dma_wait3A_579 = arith.constant 128 : i32
    %dma_wait3A_580 = arith.constant 0 : i32
    %dma_wait3A_581 = tpu.memref_slice %arg9[%dma_wait3A_579, %dma_wait3A_580] : memref<512x128xf32, #tpu.memory_space<vmem>> -> memref<128x128xf32, #tpu.memory_space<vmem>>
    %dma_wait3A_582 = arith.constant 128 : i32
    %dma_wait3A_583 = tpu.memref_slice %arg8[%dma_wait3A_582] : memref<512xi32, #tpu.memory_space<vmem>> -> memref<128xi32, #tpu.memory_space<vmem>>
    %dma_wait3A_584 = arith.constant 0 : i32
    %dma_wait3A_585 = arith.constant 0 : i32
    %dma_wait3A_586 = tpu.memref_slice %arg2[%dma_wait3A_584, %dma_wait3A_585] : memref<251904x128xf32, #tpu.memory_space<hbm>> -> memref<251904x128xf32, #tpu.memory_space<hbm>>
    tpu.wait_indirect_dma semaphore(%arg10 : memref<!tpu.dma_semaphore, #tpu.memory_space<semaphore_mem>>) src(%dma_wait3A_586 : memref<251904x128xf32, #tpu.memory_space<hbm>>) dst(%dma_wait3A_581 : memref<128x128xf32, #tpu.memory_space<vmem>>)
    %dma_wait3A_587 = arith.constant 256 : i32
    %dma_wait3A_588 = arith.constant 0 : i32
    %dma_wait3A_589 = tpu.memref_slice %arg9[%dma_wait3A_587, %dma_wait3A_588] : memref<512x128xf32, #tpu.memory_space<vmem>> -> memref<128x128xf32, #tpu.memory_space<vmem>>
    %dma_wait3A_590 = arith.constant 256 : i32
    %dma_wait3A_591 = tpu.memref_slice %arg8[%dma_wait3A_590] : memref<512xi32, #tpu.memory_space<vmem>> -> memref<128xi32, #tpu.memory_space<vmem>>
    %dma_wait3A_592 = arith.constant 0 : i32
    %dma_wait3A_593 = arith.constant 0 : i32
    %dma_wait3A_594 = tpu.memref_slice %arg2[%dma_wait3A_592, %dma_wait3A_593] : memref<251904x128xf32, #tpu.memory_space<hbm>> -> memref<251904x128xf32, #tpu.memory_space<hbm>>
    tpu.wait_indirect_dma semaphore(%arg10 : memref<!tpu.dma_semaphore, #tpu.memory_space<semaphore_mem>>) src(%dma_wait3A_594 : memref<251904x128xf32, #tpu.memory_space<hbm>>) dst(%dma_wait3A_589 : memref<128x128xf32, #tpu.memory_space<vmem>>)
    %dma_wait3A_595 = arith.constant 384 : i32
    %dma_wait3A_596 = arith.constant 0 : i32
    %dma_wait3A_597 = tpu.memref_slice %arg9[%dma_wait3A_595, %dma_wait3A_596] : memref<512x128xf32, #tpu.memory_space<vmem>> -> memref<128x128xf32, #tpu.memory_space<vmem>>
    %dma_wait3A_598 = arith.constant 384 : i32
    %dma_wait3A_599 = tpu.memref_slice %arg8[%dma_wait3A_598] : memref<512xi32, #tpu.memory_space<vmem>> -> memref<128xi32, #tpu.memory_space<vmem>>
    %dma_wait3A_600 = arith.constant 0 : i32
    %dma_wait3A_601 = arith.constant 0 : i32
    %dma_wait3A_602 = tpu.memref_slice %arg2[%dma_wait3A_600, %dma_wait3A_601] : memref<251904x128xf32, #tpu.memory_space<hbm>> -> memref<251904x128xf32, #tpu.memory_space<hbm>>
    tpu.wait_indirect_dma semaphore(%arg10 : memref<!tpu.dma_semaphore, #tpu.memory_space<semaphore_mem>>) src(%dma_wait3A_602 : memref<251904x128xf32, #tpu.memory_space<hbm>>) dst(%dma_wait3A_597 : memref<128x128xf32, #tpu.memory_space<vmem>>)
    "tpu.region"() ({
      %run_scoped3A = tpu.sem_alloc : memref<!tpu.dma_semaphore, #tpu.memory_space<semaphore_mem>>
      %dma_start3A_1211 = arith.constant 0 : i32
      %dma_start3A_1212 = tpu.memref_slice %arg6[%mul3A_2, %dma_start3A_1211] : memref<16384x128xf32, #tpu.memory_space<hbm>> -> memref<512x128xf32, #tpu.memory_space<hbm>>
      %dma_start3A_1213 = arith.constant 0 : i32
      %dma_start3A_1214 = tpu.memref_slice %arg6[%mul3A_2, %dma_start3A_1213] : memref<16384x128xf32, #tpu.memory_space<hbm>> -> memref<512x128xf32, #tpu.memory_space<hbm>>
      tpu.enqueue_dma source(%arg9 : memref<512x128xf32, #tpu.memory_space<vmem>>) target(%dma_start3A_1214 : memref<512x128xf32, #tpu.memory_space<hbm>>) target_semaphore(%run_scoped3A : memref<!tpu.dma_semaphore, #tpu.memory_space<semaphore_mem>>)
      %dma_wait3A_1215 = arith.constant 0 : i32
      %dma_wait3A_1216 = tpu.memref_slice %arg6[%mul3A_2, %dma_wait3A_1215] : memref<16384x128xf32, #tpu.memory_space<hbm>> -> memref<512x128xf32, #tpu.memory_space<hbm>>
      %dma_wait3A_1217 = arith.constant 0 : i32
      %dma_wait3A_1218 = tpu.memref_slice %arg6[%mul3A_2, %dma_wait3A_1217] : memref<16384x128xf32, #tpu.memory_space<hbm>> -> memref<512x128xf32, #tpu.memory_space<hbm>>
      tpu.wait_dma2 semaphore(%run_scoped3A : memref<!tpu.dma_semaphore, #tpu.memory_space<semaphore_mem>>) src(%arg9 : memref<512x128xf32, #tpu.memory_space<vmem>>) dst(%dma_wait3A_1218 : memref<512x128xf32, #tpu.memory_space<hbm>>)
      tpu.yield
    }) : () -> ()
    "tpu.region"() ({
      %run_scoped3A = tpu.sem_alloc : memref<!tpu.dma_semaphore, #tpu.memory_space<semaphore_mem>>
      %dma_start3A_1211 = tpu.memref_slice %arg5[%mul3A_2] : memref<16384xi32, #tpu.memory_space<hbm>> -> memref<512xi32, #tpu.memory_space<hbm>>
      %dma_start3A_1212 = tpu.memref_slice %arg5[%mul3A_2] : memref<16384xi32, #tpu.memory_space<hbm>> -> memref<512xi32, #tpu.memory_space<hbm>>
      tpu.enqueue_dma source(%dma_start3A_1212 : memref<512xi32, #tpu.memory_space<hbm>>) target(%arg8 : memref<512xi32, #tpu.memory_space<vmem>>) target_semaphore(%run_scoped3A : memref<!tpu.dma_semaphore, #tpu.memory_space<semaphore_mem>>)
      %dma_wait3A_1213 = tpu.memref_slice %arg5[%mul3A_2] : memref<16384xi32, #tpu.memory_space<hbm>> -> memref<512xi32, #tpu.memory_space<hbm>>
      %dma_wait3A_1214 = tpu.memref_slice %arg5[%mul3A_2] : memref<16384xi32, #tpu.memory_space<hbm>> -> memref<512xi32, #tpu.memory_space<hbm>>
      tpu.wait_dma2 semaphore(%run_scoped3A : memref<!tpu.dma_semaphore, #tpu.memory_space<semaphore_mem>>) src(%dma_wait3A_1214 : memref<512xi32, #tpu.memory_space<hbm>>) dst(%arg8 : memref<512xi32, #tpu.memory_space<vmem>>)
      tpu.yield
    }) : () -> ()
    %get3A_603 = arith.constant 0 : index
    %get3A_604 = tpu.vector_load %arg8[%get3A_603] {strides = array<i32>} : memref<512xi32, #tpu.memory_space<vmem>>, vector<16xi32>,
    %get3A_605 = vector.shape_cast %get3A_604 : vector<16xi32> to vector<16xi32>
    %shift_right_logical3A_606 = arith.constant 9 : i32
    %shift_right_logical3A_607 = vector.broadcast %shift_right_logical3A_606 : i32 to vector<16xi32>
    %shift_right_logical3A_608 = arith.shrui %get3A_605, %shift_right_logical3A_607 : vector<16xi32>
    %shift_left3A_609 = arith.constant 7 : i32
    %shift_left3A_610 = vector.broadcast %shift_left3A_609 : i32 to vector<16xi32>
    %shift_left3A_611 = arith.shli %shift_right_logical3A_608, %shift_left3A_610 : vector<16xi32>
    %and3A_612 = arith.constant 127 : i32
    %and3A_613 = vector.broadcast %and3A_612 : i32 to vector<16xi32>
    %and3A_614 = arith.andi %get3A_605, %and3A_613 : vector<16xi32>
    %or3A_615 = arith.ori %shift_left3A_611, %and3A_614 : vector<16xi32>
    %swap3A_616 = arith.constant 0 : index
    %swap3A_617 = tpu.vector_load %arg8[%swap3A_616] {strides = array<i32>} : memref<512xi32, #tpu.memory_space<vmem>>, vector<16xi32>,
    %swap3A_618 = vector.shape_cast %swap3A_617 : vector<16xi32> to vector<16xi32>
    %swap3A_619 = vector.shape_cast %or3A_615 : vector<16xi32> to vector<16xi32>
    tpu.vector_store %arg8[%swap3A_616], %swap3A_619 {strides = array<i32>} : memref<512xi32, #tpu.memory_space<vmem>>, vector<16xi32>,
    %get3A_620 = arith.constant 16 : index
    %get3A_621 = tpu.vector_load %arg8[%get3A_620] {strides = array<i32>} : memref<512xi32, #tpu.memory_space<vmem>>, vector<16xi32>,
    %get3A_622 = vector.shape_cast %get3A_621 : vector<16xi32> to vector<16xi32>
    %shift_right_logical3A_623 = arith.constant 9 : i32
    %shift_right_logical3A_624 = vector.broadcast %shift_right_logical3A_623 : i32 to vector<16xi32>
    %shift_right_logical3A_625 = arith.shrui %get3A_622, %shift_right_logical3A_624 : vector<16xi32>
    %shift_left3A_626 = arith.constant 7 : i32
    %shift_left3A_627 = vector.broadcast %shift_left3A_626 : i32 to vector<16xi32>
    %shift_left3A_628 = arith.shli %shift_right_logical3A_625, %shift_left3A_627 : vector<16xi32>
    %and3A_629 = arith.constant 127 : i32
    %and3A_630 = vector.broadcast %and3A_629 : i32 to vector<16xi32>
    %and3A_631 = arith.andi %get3A_622, %and3A_630 : vector<16xi32>
    %or3A_632 = arith.ori %shift_left3A_628, %and3A_631 : vector<16xi32>
    %swap3A_633 = arith.constant 16 : index
    %swap3A_634 = tpu.vector_load %arg8[%swap3A_633] {strides = array<i32>} : memref<512xi32, #tpu.memory_space<vmem>>, vector<16xi32>,
    %swap3A_635 = vector.shape_cast %swap3A_634 : vector<16xi32> to vector<16xi32>
    %swap3A_636 = vector.shape_cast %or3A_632 : vector<16xi32> to vector<16xi32>
    tpu.vector_store %arg8[%swap3A_633], %swap3A_636 {strides = array<i32>} : memref<512xi32, #tpu.memory_space<vmem>>, vector<16xi32>,
    %get3A_637 = arith.constant 32 : index
    %get3A_638 = tpu.vector_load %arg8[%get3A_637] {strides = array<i32>} : memref<512xi32, #tpu.memory_space<vmem>>, vector<16xi32>,
    %get3A_639 = vector.shape_cast %get3A_638 : vector<16xi32> to vector<16xi32>
    %shift_right_logical3A_640 = arith.constant 9 : i32
    %shift_right_logical3A_641 = vector.broadcast %shift_right_logical3A_640 : i32 to vector<16xi32>
    %shift_right_logical3A_642 = arith.shrui %get3A_639, %shift_right_logical3A_641 : vector<16xi32>
    %shift_left3A_643 = arith.constant 7 : i32
    %shift_left3A_644 = vector.broadcast %shift_left3A_643 : i32 to vector<16xi32>
    %shift_left3A_645 = arith.shli %shift_right_logical3A_642, %shift_left3A_644 : vector<16xi32>
    %and3A_646 = arith.constant 127 : i32
    %and3A_647 = vector.broadcast %and3A_646 : i32 to vector<16xi32>
    %and3A_648 = arith.andi %get3A_639, %and3A_647 : vector<16xi32>
    %or3A_649 = arith.ori %shift_left3A_645, %and3A_648 : vector<16xi32>
    %swap3A_650 = arith.constant 32 : index
    %swap3A_651 = tpu.vector_load %arg8[%swap3A_650] {strides = array<i32>} : memref<512xi32, #tpu.memory_space<vmem>>, vector<16xi32>,
    %swap3A_652 = vector.shape_cast %swap3A_651 : vector<16xi32> to vector<16xi32>
    %swap3A_653 = vector.shape_cast %or3A_649 : vector<16xi32> to vector<16xi32>
    tpu.vector_store %arg8[%swap3A_650], %swap3A_653 {strides = array<i32>} : memref<512xi32, #tpu.memory_space<vmem>>, vector<16xi32>,
    %get3A_654 = arith.constant 48 : index
    %get3A_655 = tpu.vector_load %arg8[%get3A_654] {strides = array<i32>} : memref<512xi32, #tpu.memory_space<vmem>>, vector<16xi32>,
    %get3A_656 = vector.shape_cast %get3A_655 : vector<16xi32> to vector<16xi32>
    %shift_right_logical3A_657 = arith.constant 9 : i32
    %shift_right_logical3A_658 = vector.broadcast %shift_right_logical3A_657 : i32 to vector<16xi32>
    %shift_right_logical3A_659 = arith.shrui %get3A_656, %shift_right_logical3A_658 : vector<16xi32>
    %shift_left3A_660 = arith.constant 7 : i32
    %shift_left3A_661 = vector.broadcast %shift_left3A_660 : i32 to vector<16xi32>
    %shift_left3A_662 = arith.shli %shift_right_logical3A_659, %shift_left3A_661 : vector<16xi32>
    %and3A_663 = arith.constant 127 : i32
    %and3A_664 = vector.broadcast %and3A_663 : i32 to vector<16xi32>
    %and3A_665 = arith.andi %get3A_656, %and3A_664 : vector<16xi32>
    %or3A_666 = arith.ori %shift_left3A_662, %and3A_665 : vector<16xi32>
    %swap3A_667 = arith.constant 48 : index
    %swap3A_668 = tpu.vector_load %arg8[%swap3A_667] {strides = array<i32>} : memref<512xi32, #tpu.memory_space<vmem>>, vector<16xi32>,
    %swap3A_669 = vector.shape_cast %swap3A_668 : vector<16xi32> to vector<16xi32>
    %swap3A_670 = vector.shape_cast %or3A_666 : vector<16xi32> to vector<16xi32>
    tpu.vector_store %arg8[%swap3A_667], %swap3A_670 {strides = array<i32>} : memref<512xi32, #tpu.memory_space<vmem>>, vector<16xi32>,
    %get3A_671 = arith.constant 64 : index
    %get3A_672 = tpu.vector_load %arg8[%get3A_671] {strides = array<i32>} : memref<512xi32, #tpu.memory_space<vmem>>, vector<16xi32>,
    %get3A_673 = vector.shape_cast %get3A_672 : vector<16xi32> to vector<16xi32>
    %shift_right_logical3A_674 = arith.constant 9 : i32
    %shift_right_logical3A_675 = vector.broadcast %shift_right_logical3A_674 : i32 to vector<16xi32>
    %shift_right_logical3A_676 = arith.shrui %get3A_673, %shift_right_logical3A_675 : vector<16xi32>
    %shift_left3A_677 = arith.constant 7 : i32
    %shift_left3A_678 = vector.broadcast %shift_left3A_677 : i32 to vector<16xi32>
    %shift_left3A_679 = arith.shli %shift_right_logical3A_676, %shift_left3A_678 : vector<16xi32>
    %and3A_680 = arith.constant 127 : i32
    %and3A_681 = vector.broadcast %and3A_680 : i32 to vector<16xi32>
    %and3A_682 = arith.andi %get3A_673, %and3A_681 : vector<16xi32>
    %or3A_683 = arith.ori %shift_left3A_679, %and3A_682 : vector<16xi32>
    %swap3A_684 = arith.constant 64 : index
    %swap3A_685 = tpu.vector_load %arg8[%swap3A_684] {strides = array<i32>} : memref<512xi32, #tpu.memory_space<vmem>>, vector<16xi32>,
    %swap3A_686 = vector.shape_cast %swap3A_685 : vector<16xi32> to vector<16xi32>
    %swap3A_687 = vector.shape_cast %or3A_683 : vector<16xi32> to vector<16xi32>
    tpu.vector_store %arg8[%swap3A_684], %swap3A_687 {strides = array<i32>} : memref<512xi32, #tpu.memory_space<vmem>>, vector<16xi32>,
    %get3A_688 = arith.constant 80 : index
    %get3A_689 = tpu.vector_load %arg8[%get3A_688] {strides = array<i32>} : memref<512xi32, #tpu.memory_space<vmem>>, vector<16xi32>,
    %get3A_690 = vector.shape_cast %get3A_689 : vector<16xi32> to vector<16xi32>
    %shift_right_logical3A_691 = arith.constant 9 : i32
    %shift_right_logical3A_692 = vector.broadcast %shift_right_logical3A_691 : i32 to vector<16xi32>
    %shift_right_logical3A_693 = arith.shrui %get3A_690, %shift_right_logical3A_692 : vector<16xi32>
    %shift_left3A_694 = arith.constant 7 : i32
    %shift_left3A_695 = vector.broadcast %shift_left3A_694 : i32 to vector<16xi32>
    %shift_left3A_696 = arith.shli %shift_right_logical3A_693, %shift_left3A_695 : vector<16xi32>
    %and3A_697 = arith.constant 127 : i32
    %and3A_698 = vector.broadcast %and3A_697 : i32 to vector<16xi32>
    %and3A_699 = arith.andi %get3A_690, %and3A_698 : vector<16xi32>
    %or3A_700 = arith.ori %shift_left3A_696, %and3A_699 : vector<16xi32>
    %swap3A_701 = arith.constant 80 : index
    %swap3A_702 = tpu.vector_load %arg8[%swap3A_701] {strides = array<i32>} : memref<512xi32, #tpu.memory_space<vmem>>, vector<16xi32>,
    %swap3A_703 = vector.shape_cast %swap3A_702 : vector<16xi32> to vector<16xi32>
    %swap3A_704 = vector.shape_cast %or3A_700 : vector<16xi32> to vector<16xi32>
    tpu.vector_store %arg8[%swap3A_701], %swap3A_704 {strides = array<i32>} : memref<512xi32, #tpu.memory_space<vmem>>, vector<16xi32>,
    %get3A_705 = arith.constant 96 : index
    %get3A_706 = tpu.vector_load %arg8[%get3A_705] {strides = array<i32>} : memref<512xi32, #tpu.memory_space<vmem>>, vector<16xi32>,
    %get3A_707 = vector.shape_cast %get3A_706 : vector<16xi32> to vector<16xi32>
    %shift_right_logical3A_708 = arith.constant 9 : i32
    %shift_right_logical3A_709 = vector.broadcast %shift_right_logical3A_708 : i32 to vector<16xi32>
    %shift_right_logical3A_710 = arith.shrui %get3A_707, %shift_right_logical3A_709 : vector<16xi32>
    %shift_left3A_711 = arith.constant 7 : i32
    %shift_left3A_712 = vector.broadcast %shift_left3A_711 : i32 to vector<16xi32>
    %shift_left3A_713 = arith.shli %shift_right_logical3A_710, %shift_left3A_712 : vector<16xi32>
    %and3A_714 = arith.constant 127 : i32
    %and3A_715 = vector.broadcast %and3A_714 : i32 to vector<16xi32>
    %and3A_716 = arith.andi %get3A_707, %and3A_715 : vector<16xi32>
    %or3A_717 = arith.ori %shift_left3A_713, %and3A_716 : vector<16xi32>
    %swap3A_718 = arith.constant 96 : index
    %swap3A_719 = tpu.vector_load %arg8[%swap3A_718] {strides = array<i32>} : memref<512xi32, #tpu.memory_space<vmem>>, vector<16xi32>,
    %swap3A_720 = vector.shape_cast %swap3A_719 : vector<16xi32> to vector<16xi32>
    %swap3A_721 = vector.shape_cast %or3A_717 : vector<16xi32> to vector<16xi32>
    tpu.vector_store %arg8[%swap3A_718], %swap3A_721 {strides = array<i32>} : memref<512xi32, #tpu.memory_space<vmem>>, vector<16xi32>,
    %get3A_722 = arith.constant 112 : index
    %get3A_723 = tpu.vector_load %arg8[%get3A_722] {strides = array<i32>} : memref<512xi32, #tpu.memory_space<vmem>>, vector<16xi32>,
    %get3A_724 = vector.shape_cast %get3A_723 : vector<16xi32> to vector<16xi32>
    %shift_right_logical3A_725 = arith.constant 9 : i32
    %shift_right_logical3A_726 = vector.broadcast %shift_right_logical3A_725 : i32 to vector<16xi32>
    %shift_right_logical3A_727 = arith.shrui %get3A_724, %shift_right_logical3A_726 : vector<16xi32>
    %shift_left3A_728 = arith.constant 7 : i32
    %shift_left3A_729 = vector.broadcast %shift_left3A_728 : i32 to vector<16xi32>
    %shift_left3A_730 = arith.shli %shift_right_logical3A_727, %shift_left3A_729 : vector<16xi32>
    %and3A_731 = arith.constant 127 : i32
    %and3A_732 = vector.broadcast %and3A_731 : i32 to vector<16xi32>
    %and3A_733 = arith.andi %get3A_724, %and3A_732 : vector<16xi32>
    %or3A_734 = arith.ori %shift_left3A_730, %and3A_733 : vector<16xi32>
    %swap3A_735 = arith.constant 112 : index
    %swap3A_736 = tpu.vector_load %arg8[%swap3A_735] {strides = array<i32>} : memref<512xi32, #tpu.memory_space<vmem>>, vector<16xi32>,
    %swap3A_737 = vector.shape_cast %swap3A_736 : vector<16xi32> to vector<16xi32>
    %swap3A_738 = vector.shape_cast %or3A_734 : vector<16xi32> to vector<16xi32>
    tpu.vector_store %arg8[%swap3A_735], %swap3A_738 {strides = array<i32>} : memref<512xi32, #tpu.memory_space<vmem>>, vector<16xi32>,
    %get3A_739 = arith.constant 128 : index
    %get3A_740 = tpu.vector_load %arg8[%get3A_739] {strides = array<i32>} : memref<512xi32, #tpu.memory_space<vmem>>, vector<16xi32>,
    %get3A_741 = vector.shape_cast %get3A_740 : vector<16xi32> to vector<16xi32>
    %shift_right_logical3A_742 = arith.constant 9 : i32
    %shift_right_logical3A_743 = vector.broadcast %shift_right_logical3A_742 : i32 to vector<16xi32>
    %shift_right_logical3A_744 = arith.shrui %get3A_741, %shift_right_logical3A_743 : vector<16xi32>
    %shift_left3A_745 = arith.constant 7 : i32
    %shift_left3A_746 = vector.broadcast %shift_left3A_745 : i32 to vector<16xi32>
    %shift_left3A_747 = arith.shli %shift_right_logical3A_744, %shift_left3A_746 : vector<16xi32>
    %and3A_748 = arith.constant 127 : i32
    %and3A_749 = vector.broadcast %and3A_748 : i32 to vector<16xi32>
    %and3A_750 = arith.andi %get3A_741, %and3A_749 : vector<16xi32>
    %or3A_751 = arith.ori %shift_left3A_747, %and3A_750 : vector<16xi32>
    %swap3A_752 = arith.constant 128 : index
    %swap3A_753 = tpu.vector_load %arg8[%swap3A_752] {strides = array<i32>} : memref<512xi32, #tpu.memory_space<vmem>>, vector<16xi32>,
    %swap3A_754 = vector.shape_cast %swap3A_753 : vector<16xi32> to vector<16xi32>
    %swap3A_755 = vector.shape_cast %or3A_751 : vector<16xi32> to vector<16xi32>
    tpu.vector_store %arg8[%swap3A_752], %swap3A_755 {strides = array<i32>} : memref<512xi32, #tpu.memory_space<vmem>>, vector<16xi32>,
    %get3A_756 = arith.constant 144 : index
    %get3A_757 = tpu.vector_load %arg8[%get3A_756] {strides = array<i32>} : memref<512xi32, #tpu.memory_space<vmem>>, vector<16xi32>,
    %get3A_758 = vector.shape_cast %get3A_757 : vector<16xi32> to vector<16xi32>
    %shift_right_logical3A_759 = arith.constant 9 : i32
    %shift_right_logical3A_760 = vector.broadcast %shift_right_logical3A_759 : i32 to vector<16xi32>
    %shift_right_logical3A_761 = arith.shrui %get3A_758, %shift_right_logical3A_760 : vector<16xi32>
    %shift_left3A_762 = arith.constant 7 : i32
    %shift_left3A_763 = vector.broadcast %shift_left3A_762 : i32 to vector<16xi32>
    %shift_left3A_764 = arith.shli %shift_right_logical3A_761, %shift_left3A_763 : vector<16xi32>
    %and3A_765 = arith.constant 127 : i32
    %and3A_766 = vector.broadcast %and3A_765 : i32 to vector<16xi32>
    %and3A_767 = arith.andi %get3A_758, %and3A_766 : vector<16xi32>
    %or3A_768 = arith.ori %shift_left3A_764, %and3A_767 : vector<16xi32>
    %swap3A_769 = arith.constant 144 : index
    %swap3A_770 = tpu.vector_load %arg8[%swap3A_769] {strides = array<i32>} : memref<512xi32, #tpu.memory_space<vmem>>, vector<16xi32>,
    %swap3A_771 = vector.shape_cast %swap3A_770 : vector<16xi32> to vector<16xi32>
    %swap3A_772 = vector.shape_cast %or3A_768 : vector<16xi32> to vector<16xi32>
    tpu.vector_store %arg8[%swap3A_769], %swap3A_772 {strides = array<i32>} : memref<512xi32, #tpu.memory_space<vmem>>, vector<16xi32>,
    %get3A_773 = arith.constant 160 : index
    %get3A_774 = tpu.vector_load %arg8[%get3A_773] {strides = array<i32>} : memref<512xi32, #tpu.memory_space<vmem>>, vector<16xi32>,
    %get3A_775 = vector.shape_cast %get3A_774 : vector<16xi32> to vector<16xi32>
    %shift_right_logical3A_776 = arith.constant 9 : i32
    %shift_right_logical3A_777 = vector.broadcast %shift_right_logical3A_776 : i32 to vector<16xi32>
    %shift_right_logical3A_778 = arith.shrui %get3A_775, %shift_right_logical3A_777 : vector<16xi32>
    %shift_left3A_779 = arith.constant 7 : i32
    %shift_left3A_780 = vector.broadcast %shift_left3A_779 : i32 to vector<16xi32>
    %shift_left3A_781 = arith.shli %shift_right_logical3A_778, %shift_left3A_780 : vector<16xi32>
    %and3A_782 = arith.constant 127 : i32
    %and3A_783 = vector.broadcast %and3A_782 : i32 to vector<16xi32>
    %and3A_784 = arith.andi %get3A_775, %and3A_783 : vector<16xi32>
    %or3A_785 = arith.ori %shift_left3A_781, %and3A_784 : vector<16xi32>
    %swap3A_786 = arith.constant 160 : index
    %swap3A_787 = tpu.vector_load %arg8[%swap3A_786] {strides = array<i32>} : memref<512xi32, #tpu.memory_space<vmem>>, vector<16xi32>,
    %swap3A_788 = vector.shape_cast %swap3A_787 : vector<16xi32> to vector<16xi32>
    %swap3A_789 = vector.shape_cast %or3A_785 : vector<16xi32> to vector<16xi32>
    tpu.vector_store %arg8[%swap3A_786], %swap3A_789 {strides = array<i32>} : memref<512xi32, #tpu.memory_space<vmem>>, vector<16xi32>,
    %get3A_790 = arith.constant 176 : index
    %get3A_791 = tpu.vector_load %arg8[%get3A_790] {strides = array<i32>} : memref<512xi32, #tpu.memory_space<vmem>>, vector<16xi32>,
    %get3A_792 = vector.shape_cast %get3A_791 : vector<16xi32> to vector<16xi32>
    %shift_right_logical3A_793 = arith.constant 9 : i32
    %shift_right_logical3A_794 = vector.broadcast %shift_right_logical3A_793 : i32 to vector<16xi32>
    %shift_right_logical3A_795 = arith.shrui %get3A_792, %shift_right_logical3A_794 : vector<16xi32>
    %shift_left3A_796 = arith.constant 7 : i32
    %shift_left3A_797 = vector.broadcast %shift_left3A_796 : i32 to vector<16xi32>
    %shift_left3A_798 = arith.shli %shift_right_logical3A_795, %shift_left3A_797 : vector<16xi32>
    %and3A_799 = arith.constant 127 : i32
    %and3A_800 = vector.broadcast %and3A_799 : i32 to vector<16xi32>
    %and3A_801 = arith.andi %get3A_792, %and3A_800 : vector<16xi32>
    %or3A_802 = arith.ori %shift_left3A_798, %and3A_801 : vector<16xi32>
    %swap3A_803 = arith.constant 176 : index
    %swap3A_804 = tpu.vector_load %arg8[%swap3A_803] {strides = array<i32>} : memref<512xi32, #tpu.memory_space<vmem>>, vector<16xi32>,
    %swap3A_805 = vector.shape_cast %swap3A_804 : vector<16xi32> to vector<16xi32>
    %swap3A_806 = vector.shape_cast %or3A_802 : vector<16xi32> to vector<16xi32>
    tpu.vector_store %arg8[%swap3A_803], %swap3A_806 {strides = array<i32>} : memref<512xi32, #tpu.memory_space<vmem>>, vector<16xi32>,
    %get3A_807 = arith.constant 192 : index
    %get3A_808 = tpu.vector_load %arg8[%get3A_807] {strides = array<i32>} : memref<512xi32, #tpu.memory_space<vmem>>, vector<16xi32>,
    %get3A_809 = vector.shape_cast %get3A_808 : vector<16xi32> to vector<16xi32>
    %shift_right_logical3A_810 = arith.constant 9 : i32
    %shift_right_logical3A_811 = vector.broadcast %shift_right_logical3A_810 : i32 to vector<16xi32>
    %shift_right_logical3A_812 = arith.shrui %get3A_809, %shift_right_logical3A_811 : vector<16xi32>
    %shift_left3A_813 = arith.constant 7 : i32
    %shift_left3A_814 = vector.broadcast %shift_left3A_813 : i32 to vector<16xi32>
    %shift_left3A_815 = arith.shli %shift_right_logical3A_812, %shift_left3A_814 : vector<16xi32>
    %and3A_816 = arith.constant 127 : i32
    %and3A_817 = vector.broadcast %and3A_816 : i32 to vector<16xi32>
    %and3A_818 = arith.andi %get3A_809, %and3A_817 : vector<16xi32>
    %or3A_819 = arith.ori %shift_left3A_815, %and3A_818 : vector<16xi32>
    %swap3A_820 = arith.constant 192 : index
    %swap3A_821 = tpu.vector_load %arg8[%swap3A_820] {strides = array<i32>} : memref<512xi32, #tpu.memory_space<vmem>>, vector<16xi32>,
    %swap3A_822 = vector.shape_cast %swap3A_821 : vector<16xi32> to vector<16xi32>
    %swap3A_823 = vector.shape_cast %or3A_819 : vector<16xi32> to vector<16xi32>
    tpu.vector_store %arg8[%swap3A_820], %swap3A_823 {strides = array<i32>} : memref<512xi32, #tpu.memory_space<vmem>>, vector<16xi32>,
    %get3A_824 = arith.constant 208 : index
    %get3A_825 = tpu.vector_load %arg8[%get3A_824] {strides = array<i32>} : memref<512xi32, #tpu.memory_space<vmem>>, vector<16xi32>,
    %get3A_826 = vector.shape_cast %get3A_825 : vector<16xi32> to vector<16xi32>
    %shift_right_logical3A_827 = arith.constant 9 : i32
    %shift_right_logical3A_828 = vector.broadcast %shift_right_logical3A_827 : i32 to vector<16xi32>
    %shift_right_logical3A_829 = arith.shrui %get3A_826, %shift_right_logical3A_828 : vector<16xi32>
    %shift_left3A_830 = arith.constant 7 : i32
    %shift_left3A_831 = vector.broadcast %shift_left3A_830 : i32 to vector<16xi32>
    %shift_left3A_832 = arith.shli %shift_right_logical3A_829, %shift_left3A_831 : vector<16xi32>
    %and3A_833 = arith.constant 127 : i32
    %and3A_834 = vector.broadcast %and3A_833 : i32 to vector<16xi32>
    %and3A_835 = arith.andi %get3A_826, %and3A_834 : vector<16xi32>
    %or3A_836 = arith.ori %shift_left3A_832, %and3A_835 : vector<16xi32>
    %swap3A_837 = arith.constant 208 : index
    %swap3A_838 = tpu.vector_load %arg8[%swap3A_837] {strides = array<i32>} : memref<512xi32, #tpu.memory_space<vmem>>, vector<16xi32>,
    %swap3A_839 = vector.shape_cast %swap3A_838 : vector<16xi32> to vector<16xi32>
    %swap3A_840 = vector.shape_cast %or3A_836 : vector<16xi32> to vector<16xi32>
    tpu.vector_store %arg8[%swap3A_837], %swap3A_840 {strides = array<i32>} : memref<512xi32, #tpu.memory_space<vmem>>, vector<16xi32>,
    %get3A_841 = arith.constant 224 : index
    %get3A_842 = tpu.vector_load %arg8[%get3A_841] {strides = array<i32>} : memref<512xi32, #tpu.memory_space<vmem>>, vector<16xi32>,
    %get3A_843 = vector.shape_cast %get3A_842 : vector<16xi32> to vector<16xi32>
    %shift_right_logical3A_844 = arith.constant 9 : i32
    %shift_right_logical3A_845 = vector.broadcast %shift_right_logical3A_844 : i32 to vector<16xi32>
    %shift_right_logical3A_846 = arith.shrui %get3A_843, %shift_right_logical3A_845 : vector<16xi32>
    %shift_left3A_847 = arith.constant 7 : i32
    %shift_left3A_848 = vector.broadcast %shift_left3A_847 : i32 to vector<16xi32>
    %shift_left3A_849 = arith.shli %shift_right_logical3A_846, %shift_left3A_848 : vector<16xi32>
    %and3A_850 = arith.constant 127 : i32
    %and3A_851 = vector.broadcast %and3A_850 : i32 to vector<16xi32>
    %and3A_852 = arith.andi %get3A_843, %and3A_851 : vector<16xi32>
    %or3A_853 = arith.ori %shift_left3A_849, %and3A_852 : vector<16xi32>
    %swap3A_854 = arith.constant 224 : index
    %swap3A_855 = tpu.vector_load %arg8[%swap3A_854] {strides = array<i32>} : memref<512xi32, #tpu.memory_space<vmem>>, vector<16xi32>,
    %swap3A_856 = vector.shape_cast %swap3A_855 : vector<16xi32> to vector<16xi32>
    %swap3A_857 = vector.shape_cast %or3A_853 : vector<16xi32> to vector<16xi32>
    tpu.vector_store %arg8[%swap3A_854], %swap3A_857 {strides = array<i32>} : memref<512xi32, #tpu.memory_space<vmem>>, vector<16xi32>,
    %get3A_858 = arith.constant 240 : index
    %get3A_859 = tpu.vector_load %arg8[%get3A_858] {strides = array<i32>} : memref<512xi32, #tpu.memory_space<vmem>>, vector<16xi32>,
    %get3A_860 = vector.shape_cast %get3A_859 : vector<16xi32> to vector<16xi32>
    %shift_right_logical3A_861 = arith.constant 9 : i32
    %shift_right_logical3A_862 = vector.broadcast %shift_right_logical3A_861 : i32 to vector<16xi32>
    %shift_right_logical3A_863 = arith.shrui %get3A_860, %shift_right_logical3A_862 : vector<16xi32>
    %shift_left3A_864 = arith.constant 7 : i32
    %shift_left3A_865 = vector.broadcast %shift_left3A_864 : i32 to vector<16xi32>
    %shift_left3A_866 = arith.shli %shift_right_logical3A_863, %shift_left3A_865 : vector<16xi32>
    %and3A_867 = arith.constant 127 : i32
    %and3A_868 = vector.broadcast %and3A_867 : i32 to vector<16xi32>
    %and3A_869 = arith.andi %get3A_860, %and3A_868 : vector<16xi32>
    %or3A_870 = arith.ori %shift_left3A_866, %and3A_869 : vector<16xi32>
    %swap3A_871 = arith.constant 240 : index
    %swap3A_872 = tpu.vector_load %arg8[%swap3A_871] {strides = array<i32>} : memref<512xi32, #tpu.memory_space<vmem>>, vector<16xi32>,
    %swap3A_873 = vector.shape_cast %swap3A_872 : vector<16xi32> to vector<16xi32>
    %swap3A_874 = vector.shape_cast %or3A_870 : vector<16xi32> to vector<16xi32>
    tpu.vector_store %arg8[%swap3A_871], %swap3A_874 {strides = array<i32>} : memref<512xi32, #tpu.memory_space<vmem>>, vector<16xi32>,
    %get3A_875 = arith.constant 256 : index
    %get3A_876 = tpu.vector_load %arg8[%get3A_875] {strides = array<i32>} : memref<512xi32, #tpu.memory_space<vmem>>, vector<16xi32>,
    %get3A_877 = vector.shape_cast %get3A_876 : vector<16xi32> to vector<16xi32>
    %shift_right_logical3A_878 = arith.constant 9 : i32
    %shift_right_logical3A_879 = vector.broadcast %shift_right_logical3A_878 : i32 to vector<16xi32>
    %shift_right_logical3A_880 = arith.shrui %get3A_877, %shift_right_logical3A_879 : vector<16xi32>
    %shift_left3A_881 = arith.constant 7 : i32
    %shift_left3A_882 = vector.broadcast %shift_left3A_881 : i32 to vector<16xi32>
    %shift_left3A_883 = arith.shli %shift_right_logical3A_880, %shift_left3A_882 : vector<16xi32>
    %and3A_884 = arith.constant 127 : i32
    %and3A_885 = vector.broadcast %and3A_884 : i32 to vector<16xi32>
    %and3A_886 = arith.andi %get3A_877, %and3A_885 : vector<16xi32>
    %or3A_887 = arith.ori %shift_left3A_883, %and3A_886 : vector<16xi32>
    %swap3A_888 = arith.constant 256 : index
    %swap3A_889 = tpu.vector_load %arg8[%swap3A_888] {strides = array<i32>} : memref<512xi32, #tpu.memory_space<vmem>>, vector<16xi32>,
    %swap3A_890 = vector.shape_cast %swap3A_889 : vector<16xi32> to vector<16xi32>
    %swap3A_891 = vector.shape_cast %or3A_887 : vector<16xi32> to vector<16xi32>
    tpu.vector_store %arg8[%swap3A_888], %swap3A_891 {strides = array<i32>} : memref<512xi32, #tpu.memory_space<vmem>>, vector<16xi32>,
    %get3A_892 = arith.constant 272 : index
    %get3A_893 = tpu.vector_load %arg8[%get3A_892] {strides = array<i32>} : memref<512xi32, #tpu.memory_space<vmem>>, vector<16xi32>,
    %get3A_894 = vector.shape_cast %get3A_893 : vector<16xi32> to vector<16xi32>
    %shift_right_logical3A_895 = arith.constant 9 : i32
    %shift_right_logical3A_896 = vector.broadcast %shift_right_logical3A_895 : i32 to vector<16xi32>
    %shift_right_logical3A_897 = arith.shrui %get3A_894, %shift_right_logical3A_896 : vector<16xi32>
    %shift_left3A_898 = arith.constant 7 : i32
    %shift_left3A_899 = vector.broadcast %shift_left3A_898 : i32 to vector<16xi32>
    %shift_left3A_900 = arith.shli %shift_right_logical3A_897, %shift_left3A_899 : vector<16xi32>
    %and3A_901 = arith.constant 127 : i32
    %and3A_902 = vector.broadcast %and3A_901 : i32 to vector<16xi32>
    %and3A_903 = arith.andi %get3A_894, %and3A_902 : vector<16xi32>
    %or3A_904 = arith.ori %shift_left3A_900, %and3A_903 : vector<16xi32>
    %swap3A_905 = arith.constant 272 : index
    %swap3A_906 = tpu.vector_load %arg8[%swap3A_905] {strides = array<i32>} : memref<512xi32, #tpu.memory_space<vmem>>, vector<16xi32>,
    %swap3A_907 = vector.shape_cast %swap3A_906 : vector<16xi32> to vector<16xi32>
    %swap3A_908 = vector.shape_cast %or3A_904 : vector<16xi32> to vector<16xi32>
    tpu.vector_store %arg8[%swap3A_905], %swap3A_908 {strides = array<i32>} : memref<512xi32, #tpu.memory_space<vmem>>, vector<16xi32>,
    %get3A_909 = arith.constant 288 : index
    %get3A_910 = tpu.vector_load %arg8[%get3A_909] {strides = array<i32>} : memref<512xi32, #tpu.memory_space<vmem>>, vector<16xi32>,
    %get3A_911 = vector.shape_cast %get3A_910 : vector<16xi32> to vector<16xi32>
    %shift_right_logical3A_912 = arith.constant 9 : i32
    %shift_right_logical3A_913 = vector.broadcast %shift_right_logical3A_912 : i32 to vector<16xi32>
    %shift_right_logical3A_914 = arith.shrui %get3A_911, %shift_right_logical3A_913 : vector<16xi32>
    %shift_left3A_915 = arith.constant 7 : i32
    %shift_left3A_916 = vector.broadcast %shift_left3A_915 : i32 to vector<16xi32>
    %shift_left3A_917 = arith.shli %shift_right_logical3A_914, %shift_left3A_916 : vector<16xi32>
    %and3A_918 = arith.constant 127 : i32
    %and3A_919 = vector.broadcast %and3A_918 : i32 to vector<16xi32>
    %and3A_920 = arith.andi %get3A_911, %and3A_919 : vector<16xi32>
    %or3A_921 = arith.ori %shift_left3A_917, %and3A_920 : vector<16xi32>
    %swap3A_922 = arith.constant 288 : index
    %swap3A_923 = tpu.vector_load %arg8[%swap3A_922] {strides = array<i32>} : memref<512xi32, #tpu.memory_space<vmem>>, vector<16xi32>,
    %swap3A_924 = vector.shape_cast %swap3A_923 : vector<16xi32> to vector<16xi32>
    %swap3A_925 = vector.shape_cast %or3A_921 : vector<16xi32> to vector<16xi32>
    tpu.vector_store %arg8[%swap3A_922], %swap3A_925 {strides = array<i32>} : memref<512xi32, #tpu.memory_space<vmem>>, vector<16xi32>,
    %get3A_926 = arith.constant 304 : index
    %get3A_927 = tpu.vector_load %arg8[%get3A_926] {strides = array<i32>} : memref<512xi32, #tpu.memory_space<vmem>>, vector<16xi32>,
    %get3A_928 = vector.shape_cast %get3A_927 : vector<16xi32> to vector<16xi32>
    %shift_right_logical3A_929 = arith.constant 9 : i32
    %shift_right_logical3A_930 = vector.broadcast %shift_right_logical3A_929 : i32 to vector<16xi32>
    %shift_right_logical3A_931 = arith.shrui %get3A_928, %shift_right_logical3A_930 : vector<16xi32>
    %shift_left3A_932 = arith.constant 7 : i32
    %shift_left3A_933 = vector.broadcast %shift_left3A_932 : i32 to vector<16xi32>
    %shift_left3A_934 = arith.shli %shift_right_logical3A_931, %shift_left3A_933 : vector<16xi32>
    %and3A_935 = arith.constant 127 : i32
    %and3A_936 = vector.broadcast %and3A_935 : i32 to vector<16xi32>
    %and3A_937 = arith.andi %get3A_928, %and3A_936 : vector<16xi32>
    %or3A_938 = arith.ori %shift_left3A_934, %and3A_937 : vector<16xi32>
    %swap3A_939 = arith.constant 304 : index
    %swap3A_940 = tpu.vector_load %arg8[%swap3A_939] {strides = array<i32>} : memref<512xi32, #tpu.memory_space<vmem>>, vector<16xi32>,
    %swap3A_941 = vector.shape_cast %swap3A_940 : vector<16xi32> to vector<16xi32>
    %swap3A_942 = vector.shape_cast %or3A_938 : vector<16xi32> to vector<16xi32>
    tpu.vector_store %arg8[%swap3A_939], %swap3A_942 {strides = array<i32>} : memref<512xi32, #tpu.memory_space<vmem>>, vector<16xi32>,
    %get3A_943 = arith.constant 320 : index
    %get3A_944 = tpu.vector_load %arg8[%get3A_943] {strides = array<i32>} : memref<512xi32, #tpu.memory_space<vmem>>, vector<16xi32>,
    %get3A_945 = vector.shape_cast %get3A_944 : vector<16xi32> to vector<16xi32>
    %shift_right_logical3A_946 = arith.constant 9 : i32
    %shift_right_logical3A_947 = vector.broadcast %shift_right_logical3A_946 : i32 to vector<16xi32>
    %shift_right_logical3A_948 = arith.shrui %get3A_945, %shift_right_logical3A_947 : vector<16xi32>
    %shift_left3A_949 = arith.constant 7 : i32
    %shift_left3A_950 = vector.broadcast %shift_left3A_949 : i32 to vector<16xi32>
    %shift_left3A_951 = arith.shli %shift_right_logical3A_948, %shift_left3A_950 : vector<16xi32>
    %and3A_952 = arith.constant 127 : i32
    %and3A_953 = vector.broadcast %and3A_952 : i32 to vector<16xi32>
    %and3A_954 = arith.andi %get3A_945, %and3A_953 : vector<16xi32>
    %or3A_955 = arith.ori %shift_left3A_951, %and3A_954 : vector<16xi32>
    %swap3A_956 = arith.constant 320 : index
    %swap3A_957 = tpu.vector_load %arg8[%swap3A_956] {strides = array<i32>} : memref<512xi32, #tpu.memory_space<vmem>>, vector<16xi32>,
    %swap3A_958 = vector.shape_cast %swap3A_957 : vector<16xi32> to vector<16xi32>
    %swap3A_959 = vector.shape_cast %or3A_955 : vector<16xi32> to vector<16xi32>
    tpu.vector_store %arg8[%swap3A_956], %swap3A_959 {strides = array<i32>} : memref<512xi32, #tpu.memory_space<vmem>>, vector<16xi32>,
    %get3A_960 = arith.constant 336 : index
    %get3A_961 = tpu.vector_load %arg8[%get3A_960] {strides = array<i32>} : memref<512xi32, #tpu.memory_space<vmem>>, vector<16xi32>,
    %get3A_962 = vector.shape_cast %get3A_961 : vector<16xi32> to vector<16xi32>
    %shift_right_logical3A_963 = arith.constant 9 : i32
    %shift_right_logical3A_964 = vector.broadcast %shift_right_logical3A_963 : i32 to vector<16xi32>
    %shift_right_logical3A_965 = arith.shrui %get3A_962, %shift_right_logical3A_964 : vector<16xi32>
    %shift_left3A_966 = arith.constant 7 : i32
    %shift_left3A_967 = vector.broadcast %shift_left3A_966 : i32 to vector<16xi32>
    %shift_left3A_968 = arith.shli %shift_right_logical3A_965, %shift_left3A_967 : vector<16xi32>
    %and3A_969 = arith.constant 127 : i32
    %and3A_970 = vector.broadcast %and3A_969 : i32 to vector<16xi32>
    %and3A_971 = arith.andi %get3A_962, %and3A_970 : vector<16xi32>
    %or3A_972 = arith.ori %shift_left3A_968, %and3A_971 : vector<16xi32>
    %swap3A_973 = arith.constant 336 : index
    %swap3A_974 = tpu.vector_load %arg8[%swap3A_973] {strides = array<i32>} : memref<512xi32, #tpu.memory_space<vmem>>, vector<16xi32>,
    %swap3A_975 = vector.shape_cast %swap3A_974 : vector<16xi32> to vector<16xi32>
    %swap3A_976 = vector.shape_cast %or3A_972 : vector<16xi32> to vector<16xi32>
    tpu.vector_store %arg8[%swap3A_973], %swap3A_976 {strides = array<i32>} : memref<512xi32, #tpu.memory_space<vmem>>, vector<16xi32>,
    %get3A_977 = arith.constant 352 : index
    %get3A_978 = tpu.vector_load %arg8[%get3A_977] {strides = array<i32>} : memref<512xi32, #tpu.memory_space<vmem>>, vector<16xi32>,
    %get3A_979 = vector.shape_cast %get3A_978 : vector<16xi32> to vector<16xi32>
    %shift_right_logical3A_980 = arith.constant 9 : i32
    %shift_right_logical3A_981 = vector.broadcast %shift_right_logical3A_980 : i32 to vector<16xi32>
    %shift_right_logical3A_982 = arith.shrui %get3A_979, %shift_right_logical3A_981 : vector<16xi32>
    %shift_left3A_983 = arith.constant 7 : i32
    %shift_left3A_984 = vector.broadcast %shift_left3A_983 : i32 to vector<16xi32>
    %shift_left3A_985 = arith.shli %shift_right_logical3A_982, %shift_left3A_984 : vector<16xi32>
    %and3A_986 = arith.constant 127 : i32
    %and3A_987 = vector.broadcast %and3A_986 : i32 to vector<16xi32>
    %and3A_988 = arith.andi %get3A_979, %and3A_987 : vector<16xi32>
    %or3A_989 = arith.ori %shift_left3A_985, %and3A_988 : vector<16xi32>
    %swap3A_990 = arith.constant 352 : index
    %swap3A_991 = tpu.vector_load %arg8[%swap3A_990] {strides = array<i32>} : memref<512xi32, #tpu.memory_space<vmem>>, vector<16xi32>,
    %swap3A_992 = vector.shape_cast %swap3A_991 : vector<16xi32> to vector<16xi32>
    %swap3A_993 = vector.shape_cast %or3A_989 : vector<16xi32> to vector<16xi32>
    tpu.vector_store %arg8[%swap3A_990], %swap3A_993 {strides = array<i32>} : memref<512xi32, #tpu.memory_space<vmem>>, vector<16xi32>,
    %get3A_994 = arith.constant 368 : index
    %get3A_995 = tpu.vector_load %arg8[%get3A_994] {strides = array<i32>} : memref<512xi32, #tpu.memory_space<vmem>>, vector<16xi32>,
    %get3A_996 = vector.shape_cast %get3A_995 : vector<16xi32> to vector<16xi32>
    %shift_right_logical3A_997 = arith.constant 9 : i32
    %shift_right_logical3A_998 = vector.broadcast %shift_right_logical3A_997 : i32 to vector<16xi32>
    %shift_right_logical3A_999 = arith.shrui %get3A_996, %shift_right_logical3A_998 : vector<16xi32>
    %shift_left3A_1000 = arith.constant 7 : i32
    %shift_left3A_1001 = vector.broadcast %shift_left3A_1000 : i32 to vector<16xi32>
    %shift_left3A_1002 = arith.shli %shift_right_logical3A_999, %shift_left3A_1001 : vector<16xi32>
    %and3A_1003 = arith.constant 127 : i32
    %and3A_1004 = vector.broadcast %and3A_1003 : i32 to vector<16xi32>
    %and3A_1005 = arith.andi %get3A_996, %and3A_1004 : vector<16xi32>
    %or3A_1006 = arith.ori %shift_left3A_1002, %and3A_1005 : vector<16xi32>
    %swap3A_1007 = arith.constant 368 : index
    %swap3A_1008 = tpu.vector_load %arg8[%swap3A_1007] {strides = array<i32>} : memref<512xi32, #tpu.memory_space<vmem>>, vector<16xi32>,
    %swap3A_1009 = vector.shape_cast %swap3A_1008 : vector<16xi32> to vector<16xi32>
    %swap3A_1010 = vector.shape_cast %or3A_1006 : vector<16xi32> to vector<16xi32>
    tpu.vector_store %arg8[%swap3A_1007], %swap3A_1010 {strides = array<i32>} : memref<512xi32, #tpu.memory_space<vmem>>, vector<16xi32>,
    %get3A_1011 = arith.constant 384 : index
    %get3A_1012 = tpu.vector_load %arg8[%get3A_1011] {strides = array<i32>} : memref<512xi32, #tpu.memory_space<vmem>>, vector<16xi32>,
    %get3A_1013 = vector.shape_cast %get3A_1012 : vector<16xi32> to vector<16xi32>
    %shift_right_logical3A_1014 = arith.constant 9 : i32
    %shift_right_logical3A_1015 = vector.broadcast %shift_right_logical3A_1014 : i32 to vector<16xi32>
    %shift_right_logical3A_1016 = arith.shrui %get3A_1013, %shift_right_logical3A_1015 : vector<16xi32>
    %shift_left3A_1017 = arith.constant 7 : i32
    %shift_left3A_1018 = vector.broadcast %shift_left3A_1017 : i32 to vector<16xi32>
    %shift_left3A_1019 = arith.shli %shift_right_logical3A_1016, %shift_left3A_1018 : vector<16xi32>
    %and3A_1020 = arith.constant 127 : i32
    %and3A_1021 = vector.broadcast %and3A_1020 : i32 to vector<16xi32>
    %and3A_1022 = arith.andi %get3A_1013, %and3A_1021 : vector<16xi32>
    %or3A_1023 = arith.ori %shift_left3A_1019, %and3A_1022 : vector<16xi32>
    %swap3A_1024 = arith.constant 384 : index
    %swap3A_1025 = tpu.vector_load %arg8[%swap3A_1024] {strides = array<i32>} : memref<512xi32, #tpu.memory_space<vmem>>, vector<16xi32>,
    %swap3A_1026 = vector.shape_cast %swap3A_1025 : vector<16xi32> to vector<16xi32>
    %swap3A_1027 = vector.shape_cast %or3A_1023 : vector<16xi32> to vector<16xi32>
    tpu.vector_store %arg8[%swap3A_1024], %swap3A_1027 {strides = array<i32>} : memref<512xi32, #tpu.memory_space<vmem>>, vector<16xi32>,
    %get3A_1028 = arith.constant 400 : index
    %get3A_1029 = tpu.vector_load %arg8[%get3A_1028] {strides = array<i32>} : memref<512xi32, #tpu.memory_space<vmem>>, vector<16xi32>,
    %get3A_1030 = vector.shape_cast %get3A_1029 : vector<16xi32> to vector<16xi32>
    %shift_right_logical3A_1031 = arith.constant 9 : i32
    %shift_right_logical3A_1032 = vector.broadcast %shift_right_logical3A_1031 : i32 to vector<16xi32>
    %shift_right_logical3A_1033 = arith.shrui %get3A_1030, %shift_right_logical3A_1032 : vector<16xi32>
    %shift_left3A_1034 = arith.constant 7 : i32
    %shift_left3A_1035 = vector.broadcast %shift_left3A_1034 : i32 to vector<16xi32>
    %shift_left3A_1036 = arith.shli %shift_right_logical3A_1033, %shift_left3A_1035 : vector<16xi32>
    %and3A_1037 = arith.constant 127 : i32
    %and3A_1038 = vector.broadcast %and3A_1037 : i32 to vector<16xi32>
    %and3A_1039 = arith.andi %get3A_1030, %and3A_1038 : vector<16xi32>
    %or3A_1040 = arith.ori %shift_left3A_1036, %and3A_1039 : vector<16xi32>
    %swap3A_1041 = arith.constant 400 : index
    %swap3A_1042 = tpu.vector_load %arg8[%swap3A_1041] {strides = array<i32>} : memref<512xi32, #tpu.memory_space<vmem>>, vector<16xi32>,
    %swap3A_1043 = vector.shape_cast %swap3A_1042 : vector<16xi32> to vector<16xi32>
    %swap3A_1044 = vector.shape_cast %or3A_1040 : vector<16xi32> to vector<16xi32>
    tpu.vector_store %arg8[%swap3A_1041], %swap3A_1044 {strides = array<i32>} : memref<512xi32, #tpu.memory_space<vmem>>, vector<16xi32>,
    %get3A_1045 = arith.constant 416 : index
    %get3A_1046 = tpu.vector_load %arg8[%get3A_1045] {strides = array<i32>} : memref<512xi32, #tpu.memory_space<vmem>>, vector<16xi32>,
    %get3A_1047 = vector.shape_cast %get3A_1046 : vector<16xi32> to vector<16xi32>
    %shift_right_logical3A_1048 = arith.constant 9 : i32
    %shift_right_logical3A_1049 = vector.broadcast %shift_right_logical3A_1048 : i32 to vector<16xi32>
    %shift_right_logical3A_1050 = arith.shrui %get3A_1047, %shift_right_logical3A_1049 : vector<16xi32>
    %shift_left3A_1051 = arith.constant 7 : i32
    %shift_left3A_1052 = vector.broadcast %shift_left3A_1051 : i32 to vector<16xi32>
    %shift_left3A_1053 = arith.shli %shift_right_logical3A_1050, %shift_left3A_1052 : vector<16xi32>
    %and3A_1054 = arith.constant 127 : i32
    %and3A_1055 = vector.broadcast %and3A_1054 : i32 to vector<16xi32>
    %and3A_1056 = arith.andi %get3A_1047, %and3A_1055 : vector<16xi32>
    %or3A_1057 = arith.ori %shift_left3A_1053, %and3A_1056 : vector<16xi32>
    %swap3A_1058 = arith.constant 416 : index
    %swap3A_1059 = tpu.vector_load %arg8[%swap3A_1058] {strides = array<i32>} : memref<512xi32, #tpu.memory_space<vmem>>, vector<16xi32>,
    %swap3A_1060 = vector.shape_cast %swap3A_1059 : vector<16xi32> to vector<16xi32>
    %swap3A_1061 = vector.shape_cast %or3A_1057 : vector<16xi32> to vector<16xi32>
    tpu.vector_store %arg8[%swap3A_1058], %swap3A_1061 {strides = array<i32>} : memref<512xi32, #tpu.memory_space<vmem>>, vector<16xi32>,
    %get3A_1062 = arith.constant 432 : index
    %get3A_1063 = tpu.vector_load %arg8[%get3A_1062] {strides = array<i32>} : memref<512xi32, #tpu.memory_space<vmem>>, vector<16xi32>,
    %get3A_1064 = vector.shape_cast %get3A_1063 : vector<16xi32> to vector<16xi32>
    %shift_right_logical3A_1065 = arith.constant 9 : i32
    %shift_right_logical3A_1066 = vector.broadcast %shift_right_logical3A_1065 : i32 to vector<16xi32>
    %shift_right_logical3A_1067 = arith.shrui %get3A_1064, %shift_right_logical3A_1066 : vector<16xi32>
    %shift_left3A_1068 = arith.constant 7 : i32
    %shift_left3A_1069 = vector.broadcast %shift_left3A_1068 : i32 to vector<16xi32>
    %shift_left3A_1070 = arith.shli %shift_right_logical3A_1067, %shift_left3A_1069 : vector<16xi32>
    %and3A_1071 = arith.constant 127 : i32
    %and3A_1072 = vector.broadcast %and3A_1071 : i32 to vector<16xi32>
    %and3A_1073 = arith.andi %get3A_1064, %and3A_1072 : vector<16xi32>
    %or3A_1074 = arith.ori %shift_left3A_1070, %and3A_1073 : vector<16xi32>
    %swap3A_1075 = arith.constant 432 : index
    %swap3A_1076 = tpu.vector_load %arg8[%swap3A_1075] {strides = array<i32>} : memref<512xi32, #tpu.memory_space<vmem>>, vector<16xi32>,
    %swap3A_1077 = vector.shape_cast %swap3A_1076 : vector<16xi32> to vector<16xi32>
    %swap3A_1078 = vector.shape_cast %or3A_1074 : vector<16xi32> to vector<16xi32>
    tpu.vector_store %arg8[%swap3A_1075], %swap3A_1078 {strides = array<i32>} : memref<512xi32, #tpu.memory_space<vmem>>, vector<16xi32>,
    %get3A_1079 = arith.constant 448 : index
    %get3A_1080 = tpu.vector_load %arg8[%get3A_1079] {strides = array<i32>} : memref<512xi32, #tpu.memory_space<vmem>>, vector<16xi32>,
    %get3A_1081 = vector.shape_cast %get3A_1080 : vector<16xi32> to vector<16xi32>
    %shift_right_logical3A_1082 = arith.constant 9 : i32
    %shift_right_logical3A_1083 = vector.broadcast %shift_right_logical3A_1082 : i32 to vector<16xi32>
    %shift_right_logical3A_1084 = arith.shrui %get3A_1081, %shift_right_logical3A_1083 : vector<16xi32>
    %shift_left3A_1085 = arith.constant 7 : i32
    %shift_left3A_1086 = vector.broadcast %shift_left3A_1085 : i32 to vector<16xi32>
    %shift_left3A_1087 = arith.shli %shift_right_logical3A_1084, %shift_left3A_1086 : vector<16xi32>
    %and3A_1088 = arith.constant 127 : i32
    %and3A_1089 = vector.broadcast %and3A_1088 : i32 to vector<16xi32>
    %and3A_1090 = arith.andi %get3A_1081, %and3A_1089 : vector<16xi32>
    %or3A_1091 = arith.ori %shift_left3A_1087, %and3A_1090 : vector<16xi32>
    %swap3A_1092 = arith.constant 448 : index
    %swap3A_1093 = tpu.vector_load %arg8[%swap3A_1092] {strides = array<i32>} : memref<512xi32, #tpu.memory_space<vmem>>, vector<16xi32>,
    %swap3A_1094 = vector.shape_cast %swap3A_1093 : vector<16xi32> to vector<16xi32>
    %swap3A_1095 = vector.shape_cast %or3A_1091 : vector<16xi32> to vector<16xi32>
    tpu.vector_store %arg8[%swap3A_1092], %swap3A_1095 {strides = array<i32>} : memref<512xi32, #tpu.memory_space<vmem>>, vector<16xi32>,
    %get3A_1096 = arith.constant 464 : index
    %get3A_1097 = tpu.vector_load %arg8[%get3A_1096] {strides = array<i32>} : memref<512xi32, #tpu.memory_space<vmem>>, vector<16xi32>,
    %get3A_1098 = vector.shape_cast %get3A_1097 : vector<16xi32> to vector<16xi32>
    %shift_right_logical3A_1099 = arith.constant 9 : i32
    %shift_right_logical3A_1100 = vector.broadcast %shift_right_logical3A_1099 : i32 to vector<16xi32>
    %shift_right_logical3A_1101 = arith.shrui %get3A_1098, %shift_right_logical3A_1100 : vector<16xi32>
    %shift_left3A_1102 = arith.constant 7 : i32
    %shift_left3A_1103 = vector.broadcast %shift_left3A_1102 : i32 to vector<16xi32>
    %shift_left3A_1104 = arith.shli %shift_right_logical3A_1101, %shift_left3A_1103 : vector<16xi32>
    %and3A_1105 = arith.constant 127 : i32
    %and3A_1106 = vector.broadcast %and3A_1105 : i32 to vector<16xi32>
    %and3A_1107 = arith.andi %get3A_1098, %and3A_1106 : vector<16xi32>
    %or3A_1108 = arith.ori %shift_left3A_1104, %and3A_1107 : vector<16xi32>
    %swap3A_1109 = arith.constant 464 : index
    %swap3A_1110 = tpu.vector_load %arg8[%swap3A_1109] {strides = array<i32>} : memref<512xi32, #tpu.memory_space<vmem>>, vector<16xi32>,
    %swap3A_1111 = vector.shape_cast %swap3A_1110 : vector<16xi32> to vector<16xi32>
    %swap3A_1112 = vector.shape_cast %or3A_1108 : vector<16xi32> to vector<16xi32>
    tpu.vector_store %arg8[%swap3A_1109], %swap3A_1112 {strides = array<i32>} : memref<512xi32, #tpu.memory_space<vmem>>, vector<16xi32>,
    %get3A_1113 = arith.constant 480 : index
    %get3A_1114 = tpu.vector_load %arg8[%get3A_1113] {strides = array<i32>} : memref<512xi32, #tpu.memory_space<vmem>>, vector<16xi32>,
    %get3A_1115 = vector.shape_cast %get3A_1114 : vector<16xi32> to vector<16xi32>
    %shift_right_logical3A_1116 = arith.constant 9 : i32
    %shift_right_logical3A_1117 = vector.broadcast %shift_right_logical3A_1116 : i32 to vector<16xi32>
    %shift_right_logical3A_1118 = arith.shrui %get3A_1115, %shift_right_logical3A_1117 : vector<16xi32>
    %shift_left3A_1119 = arith.constant 7 : i32
    %shift_left3A_1120 = vector.broadcast %shift_left3A_1119 : i32 to vector<16xi32>
    %shift_left3A_1121 = arith.shli %shift_right_logical3A_1118, %shift_left3A_1120 : vector<16xi32>
    %and3A_1122 = arith.constant 127 : i32
    %and3A_1123 = vector.broadcast %and3A_1122 : i32 to vector<16xi32>
    %and3A_1124 = arith.andi %get3A_1115, %and3A_1123 : vector<16xi32>
    %or3A_1125 = arith.ori %shift_left3A_1121, %and3A_1124 : vector<16xi32>
    %swap3A_1126 = arith.constant 480 : index
    %swap3A_1127 = tpu.vector_load %arg8[%swap3A_1126] {strides = array<i32>} : memref<512xi32, #tpu.memory_space<vmem>>, vector<16xi32>,
    %swap3A_1128 = vector.shape_cast %swap3A_1127 : vector<16xi32> to vector<16xi32>
    %swap3A_1129 = vector.shape_cast %or3A_1125 : vector<16xi32> to vector<16xi32>
    tpu.vector_store %arg8[%swap3A_1126], %swap3A_1129 {strides = array<i32>} : memref<512xi32, #tpu.memory_space<vmem>>, vector<16xi32>,
    %get3A_1130 = arith.constant 496 : index
    %get3A_1131 = tpu.vector_load %arg8[%get3A_1130] {strides = array<i32>} : memref<512xi32, #tpu.memory_space<vmem>>, vector<16xi32>,
    %get3A_1132 = vector.shape_cast %get3A_1131 : vector<16xi32> to vector<16xi32>
    %shift_right_logical3A_1133 = arith.constant 9 : i32
    %shift_right_logical3A_1134 = vector.broadcast %shift_right_logical3A_1133 : i32 to vector<16xi32>
    %shift_right_logical3A_1135 = arith.shrui %get3A_1132, %shift_right_logical3A_1134 : vector<16xi32>
    %shift_left3A_1136 = arith.constant 7 : i32
    %shift_left3A_1137 = vector.broadcast %shift_left3A_1136 : i32 to vector<16xi32>
    %shift_left3A_1138 = arith.shli %shift_right_logical3A_1135, %shift_left3A_1137 : vector<16xi32>
    %and3A_1139 = arith.constant 127 : i32
    %and3A_1140 = vector.broadcast %and3A_1139 : i32 to vector<16xi32>
    %and3A_1141 = arith.andi %get3A_1132, %and3A_1140 : vector<16xi32>
    %or3A_1142 = arith.ori %shift_left3A_1138, %and3A_1141 : vector<16xi32>
    %swap3A_1143 = arith.constant 496 : index
    %swap3A_1144 = tpu.vector_load %arg8[%swap3A_1143] {strides = array<i32>} : memref<512xi32, #tpu.memory_space<vmem>>, vector<16xi32>,
    %swap3A_1145 = vector.shape_cast %swap3A_1144 : vector<16xi32> to vector<16xi32>
    %swap3A_1146 = vector.shape_cast %or3A_1142 : vector<16xi32> to vector<16xi32>
    tpu.vector_store %arg8[%swap3A_1143], %swap3A_1146 {strides = array<i32>} : memref<512xi32, #tpu.memory_space<vmem>>, vector<16xi32>,
    %dma_start3A_1147 = arith.constant 0 : i32
    %dma_start3A_1148 = arith.constant 0 : i32
    %dma_start3A_1149 = tpu.memref_slice %arg9[%dma_start3A_1147, %dma_start3A_1148] : memref<512x128xf32, #tpu.memory_space<vmem>> -> memref<128x128xf32, #tpu.memory_space<vmem>>
    %dma_start3A_1150 = arith.constant 0 : i32
    %dma_start3A_1151 = tpu.memref_slice %arg8[%dma_start3A_1150] : memref<512xi32, #tpu.memory_space<vmem>> -> memref<128xi32, #tpu.memory_space<vmem>>
    %dma_start3A_1152 = arith.constant 0 : i32
    %dma_start3A_1153 = arith.constant 0 : i32
    %dma_start3A_1154 = tpu.memref_slice %arg3[%dma_start3A_1152, %dma_start3A_1153] : memref<251904x128xf32, #tpu.memory_space<hbm>> -> memref<251904x128xf32, #tpu.memory_space<hbm>>
    tpu.enqueue_indirect_dma source(%dma_start3A_1154 : memref<251904x128xf32, #tpu.memory_space<hbm>>) target(%dma_start3A_1149 : memref<128x128xf32, #tpu.memory_space<vmem>>) offsets(%dma_start3A_1151 : memref<128xi32, #tpu.memory_space<vmem>>) semaphore(%arg10 : memref<!tpu.dma_semaphore, #tpu.memory_space<semaphore_mem>>)
    %dma_start3A_1155 = arith.constant 128 : i32
    %dma_start3A_1156 = arith.constant 0 : i32
    %dma_start3A_1157 = tpu.memref_slice %arg9[%dma_start3A_1155, %dma_start3A_1156] : memref<512x128xf32, #tpu.memory_space<vmem>> -> memref<128x128xf32, #tpu.memory_space<vmem>>
    %dma_start3A_1158 = arith.constant 128 : i32
    %dma_start3A_1159 = tpu.memref_slice %arg8[%dma_start3A_1158] : memref<512xi32, #tpu.memory_space<vmem>> -> memref<128xi32, #tpu.memory_space<vmem>>
    %dma_start3A_1160 = arith.constant 0 : i32
    %dma_start3A_1161 = arith.constant 0 : i32
    %dma_start3A_1162 = tpu.memref_slice %arg3[%dma_start3A_1160, %dma_start3A_1161] : memref<251904x128xf32, #tpu.memory_space<hbm>> -> memref<251904x128xf32, #tpu.memory_space<hbm>>
    tpu.enqueue_indirect_dma source(%dma_start3A_1162 : memref<251904x128xf32, #tpu.memory_space<hbm>>) target(%dma_start3A_1157 : memref<128x128xf32, #tpu.memory_space<vmem>>) offsets(%dma_start3A_1159 : memref<128xi32, #tpu.memory_space<vmem>>) semaphore(%arg10 : memref<!tpu.dma_semaphore, #tpu.memory_space<semaphore_mem>>)
    %dma_start3A_1163 = arith.constant 256 : i32
    %dma_start3A_1164 = arith.constant 0 : i32
    %dma_start3A_1165 = tpu.memref_slice %arg9[%dma_start3A_1163, %dma_start3A_1164] : memref<512x128xf32, #tpu.memory_space<vmem>> -> memref<128x128xf32, #tpu.memory_space<vmem>>
    %dma_start3A_1166 = arith.constant 256 : i32
    %dma_start3A_1167 = tpu.memref_slice %arg8[%dma_start3A_1166] : memref<512xi32, #tpu.memory_space<vmem>> -> memref<128xi32, #tpu.memory_space<vmem>>
    %dma_start3A_1168 = arith.constant 0 : i32
    %dma_start3A_1169 = arith.constant 0 : i32
    %dma_start3A_1170 = tpu.memref_slice %arg3[%dma_start3A_1168, %dma_start3A_1169] : memref<251904x128xf32, #tpu.memory_space<hbm>> -> memref<251904x128xf32, #tpu.memory_space<hbm>>
    tpu.enqueue_indirect_dma source(%dma_start3A_1170 : memref<251904x128xf32, #tpu.memory_space<hbm>>) target(%dma_start3A_1165 : memref<128x128xf32, #tpu.memory_space<vmem>>) offsets(%dma_start3A_1167 : memref<128xi32, #tpu.memory_space<vmem>>) semaphore(%arg10 : memref<!tpu.dma_semaphore, #tpu.memory_space<semaphore_mem>>)
    %dma_start3A_1171 = arith.constant 384 : i32
    %dma_start3A_1172 = arith.constant 0 : i32
    %dma_start3A_1173 = tpu.memref_slice %arg9[%dma_start3A_1171, %dma_start3A_1172] : memref<512x128xf32, #tpu.memory_space<vmem>> -> memref<128x128xf32, #tpu.memory_space<vmem>>
    %dma_start3A_1174 = arith.constant 384 : i32
    %dma_start3A_1175 = tpu.memref_slice %arg8[%dma_start3A_1174] : memref<512xi32, #tpu.memory_space<vmem>> -> memref<128xi32, #tpu.memory_space<vmem>>
    %dma_start3A_1176 = arith.constant 0 : i32
    %dma_start3A_1177 = arith.constant 0 : i32
    %dma_start3A_1178 = tpu.memref_slice %arg3[%dma_start3A_1176, %dma_start3A_1177] : memref<251904x128xf32, #tpu.memory_space<hbm>> -> memref<251904x128xf32, #tpu.memory_space<hbm>>
    tpu.enqueue_indirect_dma source(%dma_start3A_1178 : memref<251904x128xf32, #tpu.memory_space<hbm>>) target(%dma_start3A_1173 : memref<128x128xf32, #tpu.memory_space<vmem>>) offsets(%dma_start3A_1175 : memref<128xi32, #tpu.memory_space<vmem>>) semaphore(%arg10 : memref<!tpu.dma_semaphore, #tpu.memory_space<semaphore_mem>>)
    %dma_wait3A_1179 = arith.constant 0 : i32
    %dma_wait3A_1180 = arith.constant 0 : i32
    %dma_wait3A_1181 = tpu.memref_slice %arg9[%dma_wait3A_1179, %dma_wait3A_1180] : memref<512x128xf32, #tpu.memory_space<vmem>> -> memref<128x128xf32, #tpu.memory_space<vmem>>
    %dma_wait3A_1182 = arith.constant 0 : i32
    %dma_wait3A_1183 = tpu.memref_slice %arg8[%dma_wait3A_1182] : memref<512xi32, #tpu.memory_space<vmem>> -> memref<128xi32, #tpu.memory_space<vmem>>
    %dma_wait3A_1184 = arith.constant 0 : i32
    %dma_wait3A_1185 = arith.constant 0 : i32
    %dma_wait3A_1186 = tpu.memref_slice %arg3[%dma_wait3A_1184, %dma_wait3A_1185] : memref<251904x128xf32, #tpu.memory_space<hbm>> -> memref<251904x128xf32, #tpu.memory_space<hbm>>
    tpu.wait_indirect_dma semaphore(%arg10 : memref<!tpu.dma_semaphore, #tpu.memory_space<semaphore_mem>>) src(%dma_wait3A_1186 : memref<251904x128xf32, #tpu.memory_space<hbm>>) dst(%dma_wait3A_1181 : memref<128x128xf32, #tpu.memory_space<vmem>>)
    %dma_wait3A_1187 = arith.constant 128 : i32
    %dma_wait3A_1188 = arith.constant 0 : i32
    %dma_wait3A_1189 = tpu.memref_slice %arg9[%dma_wait3A_1187, %dma_wait3A_1188] : memref<512x128xf32, #tpu.memory_space<vmem>> -> memref<128x128xf32, #tpu.memory_space<vmem>>
    %dma_wait3A_1190 = arith.constant 128 : i32
    %dma_wait3A_1191 = tpu.memref_slice %arg8[%dma_wait3A_1190] : memref<512xi32, #tpu.memory_space<vmem>> -> memref<128xi32, #tpu.memory_space<vmem>>
    %dma_wait3A_1192 = arith.constant 0 : i32
    %dma_wait3A_1193 = arith.constant 0 : i32
    %dma_wait3A_1194 = tpu.memref_slice %arg3[%dma_wait3A_1192, %dma_wait3A_1193] : memref<251904x128xf32, #tpu.memory_space<hbm>> -> memref<251904x128xf32, #tpu.memory_space<hbm>>
    tpu.wait_indirect_dma semaphore(%arg10 : memref<!tpu.dma_semaphore, #tpu.memory_space<semaphore_mem>>) src(%dma_wait3A_1194 : memref<251904x128xf32, #tpu.memory_space<hbm>>) dst(%dma_wait3A_1189 : memref<128x128xf32, #tpu.memory_space<vmem>>)
    %dma_wait3A_1195 = arith.constant 256 : i32
    %dma_wait3A_1196 = arith.constant 0 : i32
    %dma_wait3A_1197 = tpu.memref_slice %arg9[%dma_wait3A_1195, %dma_wait3A_1196] : memref<512x128xf32, #tpu.memory_space<vmem>> -> memref<128x128xf32, #tpu.memory_space<vmem>>
    %dma_wait3A_1198 = arith.constant 256 : i32
    %dma_wait3A_1199 = tpu.memref_slice %arg8[%dma_wait3A_1198] : memref<512xi32, #tpu.memory_space<vmem>> -> memref<128xi32, #tpu.memory_space<vmem>>
    %dma_wait3A_1200 = arith.constant 0 : i32
    %dma_wait3A_1201 = arith.constant 0 : i32
    %dma_wait3A_1202 = tpu.memref_slice %arg3[%dma_wait3A_1200, %dma_wait3A_1201] : memref<251904x128xf32, #tpu.memory_space<hbm>> -> memref<251904x128xf32, #tpu.memory_space<hbm>>
    tpu.wait_indirect_dma semaphore(%arg10 : memref<!tpu.dma_semaphore, #tpu.memory_space<semaphore_mem>>) src(%dma_wait3A_1202 : memref<251904x128xf32, #tpu.memory_space<hbm>>) dst(%dma_wait3A_1197 : memref<128x128xf32, #tpu.memory_space<vmem>>)
    %dma_wait3A_1203 = arith.constant 384 : i32
    %dma_wait3A_1204 = arith.constant 0 : i32
    %dma_wait3A_1205 = tpu.memref_slice %arg9[%dma_wait3A_1203, %dma_wait3A_1204] : memref<512x128xf32, #tpu.memory_space<vmem>> -> memref<128x128xf32, #tpu.memory_space<vmem>>
    %dma_wait3A_1206 = arith.constant 384 : i32
    %dma_wait3A_1207 = tpu.memref_slice %arg8[%dma_wait3A_1206] : memref<512xi32, #tpu.memory_space<vmem>> -> memref<128xi32, #tpu.memory_space<vmem>>
    %dma_wait3A_1208 = arith.constant 0 : i32
    %dma_wait3A_1209 = arith.constant 0 : i32
    %dma_wait3A_1210 = tpu.memref_slice %arg3[%dma_wait3A_1208, %dma_wait3A_1209] : memref<251904x128xf32, #tpu.memory_space<hbm>> -> memref<251904x128xf32, #tpu.memory_space<hbm>>
    tpu.wait_indirect_dma semaphore(%arg10 : memref<!tpu.dma_semaphore, #tpu.memory_space<semaphore_mem>>) src(%dma_wait3A_1210 : memref<251904x128xf32, #tpu.memory_space<hbm>>) dst(%dma_wait3A_1205 : memref<128x128xf32, #tpu.memory_space<vmem>>)
    "tpu.region"() ({
      %run_scoped3A = tpu.sem_alloc : memref<!tpu.dma_semaphore, #tpu.memory_space<semaphore_mem>>
      %dma_start3A_1211 = arith.constant 0 : i32
      %dma_start3A_1212 = tpu.memref_slice %arg7[%mul3A_2, %dma_start3A_1211] : memref<16384x128xf32, #tpu.memory_space<hbm>> -> memref<512x128xf32, #tpu.memory_space<hbm>>
      %dma_start3A_1213 = arith.constant 0 : i32
      %dma_start3A_1214 = tpu.memref_slice %arg7[%mul3A_2, %dma_start3A_1213] : memref<16384x128xf32, #tpu.memory_space<hbm>> -> memref<512x128xf32, #tpu.memory_space<hbm>>
      tpu.enqueue_dma source(%arg9 : memref<512x128xf32, #tpu.memory_space<vmem>>) target(%dma_start3A_1214 : memref<512x128xf32, #tpu.memory_space<hbm>>) target_semaphore(%run_scoped3A : memref<!tpu.dma_semaphore, #tpu.memory_space<semaphore_mem>>)
      %dma_wait3A_1215 = arith.constant 0 : i32
      %dma_wait3A_1216 = tpu.memref_slice %arg7[%mul3A_2, %dma_wait3A_1215] : memref<16384x128xf32, #tpu.memory_space<hbm>> -> memref<512x128xf32, #tpu.memory_space<hbm>>
      %dma_wait3A_1217 = arith.constant 0 : i32
      %dma_wait3A_1218 = tpu.memref_slice %arg7[%mul3A_2, %dma_wait3A_1217] : memref<16384x128xf32, #tpu.memory_space<hbm>> -> memref<512x128xf32, #tpu.memory_space<hbm>>
      tpu.wait_dma2 semaphore(%run_scoped3A : memref<!tpu.dma_semaphore, #tpu.memory_space<semaphore_mem>>) src(%arg9 : memref<512x128xf32, #tpu.memory_space<vmem>>) dst(%dma_wait3A_1218 : memref<512x128xf32, #tpu.memory_space<hbm>>)
      tpu.yield
    }) : () -> ()
    return
  }
}

module attributes {stable_mosaic.version = 14 : i64} {
  func.func @_pack_body(%arg0: i32, %arg1: memref<32x8192xf32, #tpu.memory_space<vmem>>, %arg2: memref<2048x128xf32, #tpu.memory_space<vmem>>) attributes {dimension_semantics = [#tpu.dimension_semantics<arbitrary>], iteration_bounds = array<i64: 123>, scalar_prefetch = 0 : i64, scratch_operands = 0 : i64, tpu.core_type = #tpu.core_type<tc>, window_params = [{transform_indices = @transform_0, window_bounds = array<i64: 32, 8192>}, {transform_indices = @transform_1, window_bounds = array<i64: 2048, 128>}]} {
    %get3A = arith.constant 0 : index
    %get3A_0 = arith.constant 0 : index
    %get3A_1 = vector.load %arg1[%get3A, %get3A_0] : memref<32x8192xf32, #tpu.memory_space<vmem>>, vector<32x8192xf32>
    %transpose3A = tpu.transpose %get3A_1, [1, 0] : vector<32x8192xf32> -> vector<8192x32xf32>
    %slice3A = vector.extract_strided_slice %transpose3A {offsets = [0, 0], sizes = [128, 32], strides = [1, 1]} : vector<8192x32xf32> to vector<128x32xf32>
    %slice3A_2 = vector.extract_strided_slice %transpose3A {offsets = [128, 0], sizes = [128, 32], strides = [1, 1]} : vector<8192x32xf32> to vector<128x32xf32>
    %slice3A_3 = vector.extract_strided_slice %transpose3A {offsets = [256, 0], sizes = [128, 32], strides = [1, 1]} : vector<8192x32xf32> to vector<128x32xf32>
    %slice3A_4 = vector.extract_strided_slice %transpose3A {offsets = [384, 0], sizes = [128, 32], strides = [1, 1]} : vector<8192x32xf32> to vector<128x32xf32>
    %concatenate3A = tpu.concatenate %slice3A, %slice3A_2, %slice3A_3, %slice3A_4 in 1 : vector<128x32xf32>, vector<128x32xf32>, vector<128x32xf32>, vector<128x32xf32> -> vector<128x128xf32>
    %swap3A = arith.constant 0 : index
    %swap3A_5 = arith.constant 0 : index
    %swap3A_6 = vector.load %arg2[%swap3A, %swap3A_5] : memref<2048x128xf32, #tpu.memory_space<vmem>>, vector<128x128xf32>
    tpu.vector_store %arg2[%swap3A, %swap3A_5], %concatenate3A {strides = array<i32>} : memref<2048x128xf32, #tpu.memory_space<vmem>>, vector<128x128xf32>,
    %slice3A_7 = vector.extract_strided_slice %transpose3A {offsets = [512, 0], sizes = [128, 32], strides = [1, 1]} : vector<8192x32xf32> to vector<128x32xf32>
    %slice3A_8 = vector.extract_strided_slice %transpose3A {offsets = [640, 0], sizes = [128, 32], strides = [1, 1]} : vector<8192x32xf32> to vector<128x32xf32>
    %slice3A_9 = vector.extract_strided_slice %transpose3A {offsets = [768, 0], sizes = [128, 32], strides = [1, 1]} : vector<8192x32xf32> to vector<128x32xf32>
    %slice3A_10 = vector.extract_strided_slice %transpose3A {offsets = [896, 0], sizes = [128, 32], strides = [1, 1]} : vector<8192x32xf32> to vector<128x32xf32>
    %concatenate3A_11 = tpu.concatenate %slice3A_7, %slice3A_8, %slice3A_9, %slice3A_10 in 1 : vector<128x32xf32>, vector<128x32xf32>, vector<128x32xf32>, vector<128x32xf32> -> vector<128x128xf32>
    %swap3A_12 = arith.constant 128 : index
    %swap3A_13 = arith.constant 0 : index
    %swap3A_14 = vector.load %arg2[%swap3A_12, %swap3A_13] : memref<2048x128xf32, #tpu.memory_space<vmem>>, vector<128x128xf32>
    tpu.vector_store %arg2[%swap3A_12, %swap3A_13], %concatenate3A_11 {strides = array<i32>} : memref<2048x128xf32, #tpu.memory_space<vmem>>, vector<128x128xf32>,
    %slice3A_15 = vector.extract_strided_slice %transpose3A {offsets = [1024, 0], sizes = [128, 32], strides = [1, 1]} : vector<8192x32xf32> to vector<128x32xf32>
    %slice3A_16 = vector.extract_strided_slice %transpose3A {offsets = [1152, 0], sizes = [128, 32], strides = [1, 1]} : vector<8192x32xf32> to vector<128x32xf32>
    %slice3A_17 = vector.extract_strided_slice %transpose3A {offsets = [1280, 0], sizes = [128, 32], strides = [1, 1]} : vector<8192x32xf32> to vector<128x32xf32>
    %slice3A_18 = vector.extract_strided_slice %transpose3A {offsets = [1408, 0], sizes = [128, 32], strides = [1, 1]} : vector<8192x32xf32> to vector<128x32xf32>
    %concatenate3A_19 = tpu.concatenate %slice3A_15, %slice3A_16, %slice3A_17, %slice3A_18 in 1 : vector<128x32xf32>, vector<128x32xf32>, vector<128x32xf32>, vector<128x32xf32> -> vector<128x128xf32>
    %swap3A_20 = arith.constant 256 : index
    %swap3A_21 = arith.constant 0 : index
    %swap3A_22 = vector.load %arg2[%swap3A_20, %swap3A_21] : memref<2048x128xf32, #tpu.memory_space<vmem>>, vector<128x128xf32>
    tpu.vector_store %arg2[%swap3A_20, %swap3A_21], %concatenate3A_19 {strides = array<i32>} : memref<2048x128xf32, #tpu.memory_space<vmem>>, vector<128x128xf32>,
    %slice3A_23 = vector.extract_strided_slice %transpose3A {offsets = [1536, 0], sizes = [128, 32], strides = [1, 1]} : vector<8192x32xf32> to vector<128x32xf32>
    %slice3A_24 = vector.extract_strided_slice %transpose3A {offsets = [1664, 0], sizes = [128, 32], strides = [1, 1]} : vector<8192x32xf32> to vector<128x32xf32>
    %slice3A_25 = vector.extract_strided_slice %transpose3A {offsets = [1792, 0], sizes = [128, 32], strides = [1, 1]} : vector<8192x32xf32> to vector<128x32xf32>
    %slice3A_26 = vector.extract_strided_slice %transpose3A {offsets = [1920, 0], sizes = [128, 32], strides = [1, 1]} : vector<8192x32xf32> to vector<128x32xf32>
    %concatenate3A_27 = tpu.concatenate %slice3A_23, %slice3A_24, %slice3A_25, %slice3A_26 in 1 : vector<128x32xf32>, vector<128x32xf32>, vector<128x32xf32>, vector<128x32xf32> -> vector<128x128xf32>
    %swap3A_28 = arith.constant 384 : index
    %swap3A_29 = arith.constant 0 : index
    %swap3A_30 = vector.load %arg2[%swap3A_28, %swap3A_29] : memref<2048x128xf32, #tpu.memory_space<vmem>>, vector<128x128xf32>
    tpu.vector_store %arg2[%swap3A_28, %swap3A_29], %concatenate3A_27 {strides = array<i32>} : memref<2048x128xf32, #tpu.memory_space<vmem>>, vector<128x128xf32>,
    %slice3A_31 = vector.extract_strided_slice %transpose3A {offsets = [2048, 0], sizes = [128, 32], strides = [1, 1]} : vector<8192x32xf32> to vector<128x32xf32>
    %slice3A_32 = vector.extract_strided_slice %transpose3A {offsets = [2176, 0], sizes = [128, 32], strides = [1, 1]} : vector<8192x32xf32> to vector<128x32xf32>
    %slice3A_33 = vector.extract_strided_slice %transpose3A {offsets = [2304, 0], sizes = [128, 32], strides = [1, 1]} : vector<8192x32xf32> to vector<128x32xf32>
    %slice3A_34 = vector.extract_strided_slice %transpose3A {offsets = [2432, 0], sizes = [128, 32], strides = [1, 1]} : vector<8192x32xf32> to vector<128x32xf32>
    %concatenate3A_35 = tpu.concatenate %slice3A_31, %slice3A_32, %slice3A_33, %slice3A_34 in 1 : vector<128x32xf32>, vector<128x32xf32>, vector<128x32xf32>, vector<128x32xf32> -> vector<128x128xf32>
    %swap3A_36 = arith.constant 512 : index
    %swap3A_37 = arith.constant 0 : index
    %swap3A_38 = vector.load %arg2[%swap3A_36, %swap3A_37] : memref<2048x128xf32, #tpu.memory_space<vmem>>, vector<128x128xf32>
    tpu.vector_store %arg2[%swap3A_36, %swap3A_37], %concatenate3A_35 {strides = array<i32>} : memref<2048x128xf32, #tpu.memory_space<vmem>>, vector<128x128xf32>,
    %slice3A_39 = vector.extract_strided_slice %transpose3A {offsets = [2560, 0], sizes = [128, 32], strides = [1, 1]} : vector<8192x32xf32> to vector<128x32xf32>
    %slice3A_40 = vector.extract_strided_slice %transpose3A {offsets = [2688, 0], sizes = [128, 32], strides = [1, 1]} : vector<8192x32xf32> to vector<128x32xf32>
    %slice3A_41 = vector.extract_strided_slice %transpose3A {offsets = [2816, 0], sizes = [128, 32], strides = [1, 1]} : vector<8192x32xf32> to vector<128x32xf32>
    %slice3A_42 = vector.extract_strided_slice %transpose3A {offsets = [2944, 0], sizes = [128, 32], strides = [1, 1]} : vector<8192x32xf32> to vector<128x32xf32>
    %concatenate3A_43 = tpu.concatenate %slice3A_39, %slice3A_40, %slice3A_41, %slice3A_42 in 1 : vector<128x32xf32>, vector<128x32xf32>, vector<128x32xf32>, vector<128x32xf32> -> vector<128x128xf32>
    %swap3A_44 = arith.constant 640 : index
    %swap3A_45 = arith.constant 0 : index
    %swap3A_46 = vector.load %arg2[%swap3A_44, %swap3A_45] : memref<2048x128xf32, #tpu.memory_space<vmem>>, vector<128x128xf32>
    tpu.vector_store %arg2[%swap3A_44, %swap3A_45], %concatenate3A_43 {strides = array<i32>} : memref<2048x128xf32, #tpu.memory_space<vmem>>, vector<128x128xf32>,
    %slice3A_47 = vector.extract_strided_slice %transpose3A {offsets = [3072, 0], sizes = [128, 32], strides = [1, 1]} : vector<8192x32xf32> to vector<128x32xf32>
    %slice3A_48 = vector.extract_strided_slice %transpose3A {offsets = [3200, 0], sizes = [128, 32], strides = [1, 1]} : vector<8192x32xf32> to vector<128x32xf32>
    %slice3A_49 = vector.extract_strided_slice %transpose3A {offsets = [3328, 0], sizes = [128, 32], strides = [1, 1]} : vector<8192x32xf32> to vector<128x32xf32>
    %slice3A_50 = vector.extract_strided_slice %transpose3A {offsets = [3456, 0], sizes = [128, 32], strides = [1, 1]} : vector<8192x32xf32> to vector<128x32xf32>
    %concatenate3A_51 = tpu.concatenate %slice3A_47, %slice3A_48, %slice3A_49, %slice3A_50 in 1 : vector<128x32xf32>, vector<128x32xf32>, vector<128x32xf32>, vector<128x32xf32> -> vector<128x128xf32>
    %swap3A_52 = arith.constant 768 : index
    %swap3A_53 = arith.constant 0 : index
    %swap3A_54 = vector.load %arg2[%swap3A_52, %swap3A_53] : memref<2048x128xf32, #tpu.memory_space<vmem>>, vector<128x128xf32>
    tpu.vector_store %arg2[%swap3A_52, %swap3A_53], %concatenate3A_51 {strides = array<i32>} : memref<2048x128xf32, #tpu.memory_space<vmem>>, vector<128x128xf32>,
    %slice3A_55 = vector.extract_strided_slice %transpose3A {offsets = [3584, 0], sizes = [128, 32], strides = [1, 1]} : vector<8192x32xf32> to vector<128x32xf32>
    %slice3A_56 = vector.extract_strided_slice %transpose3A {offsets = [3712, 0], sizes = [128, 32], strides = [1, 1]} : vector<8192x32xf32> to vector<128x32xf32>
    %slice3A_57 = vector.extract_strided_slice %transpose3A {offsets = [3840, 0], sizes = [128, 32], strides = [1, 1]} : vector<8192x32xf32> to vector<128x32xf32>
    %slice3A_58 = vector.extract_strided_slice %transpose3A {offsets = [3968, 0], sizes = [128, 32], strides = [1, 1]} : vector<8192x32xf32> to vector<128x32xf32>
    %concatenate3A_59 = tpu.concatenate %slice3A_55, %slice3A_56, %slice3A_57, %slice3A_58 in 1 : vector<128x32xf32>, vector<128x32xf32>, vector<128x32xf32>, vector<128x32xf32> -> vector<128x128xf32>
    %swap3A_60 = arith.constant 896 : index
    %swap3A_61 = arith.constant 0 : index
    %swap3A_62 = vector.load %arg2[%swap3A_60, %swap3A_61] : memref<2048x128xf32, #tpu.memory_space<vmem>>, vector<128x128xf32>
    tpu.vector_store %arg2[%swap3A_60, %swap3A_61], %concatenate3A_59 {strides = array<i32>} : memref<2048x128xf32, #tpu.memory_space<vmem>>, vector<128x128xf32>,
    %slice3A_63 = vector.extract_strided_slice %transpose3A {offsets = [4096, 0], sizes = [128, 32], strides = [1, 1]} : vector<8192x32xf32> to vector<128x32xf32>
    %slice3A_64 = vector.extract_strided_slice %transpose3A {offsets = [4224, 0], sizes = [128, 32], strides = [1, 1]} : vector<8192x32xf32> to vector<128x32xf32>
    %slice3A_65 = vector.extract_strided_slice %transpose3A {offsets = [4352, 0], sizes = [128, 32], strides = [1, 1]} : vector<8192x32xf32> to vector<128x32xf32>
    %slice3A_66 = vector.extract_strided_slice %transpose3A {offsets = [4480, 0], sizes = [128, 32], strides = [1, 1]} : vector<8192x32xf32> to vector<128x32xf32>
    %concatenate3A_67 = tpu.concatenate %slice3A_63, %slice3A_64, %slice3A_65, %slice3A_66 in 1 : vector<128x32xf32>, vector<128x32xf32>, vector<128x32xf32>, vector<128x32xf32> -> vector<128x128xf32>
    %swap3A_68 = arith.constant 1024 : index
    %swap3A_69 = arith.constant 0 : index
    %swap3A_70 = vector.load %arg2[%swap3A_68, %swap3A_69] : memref<2048x128xf32, #tpu.memory_space<vmem>>, vector<128x128xf32>
    tpu.vector_store %arg2[%swap3A_68, %swap3A_69], %concatenate3A_67 {strides = array<i32>} : memref<2048x128xf32, #tpu.memory_space<vmem>>, vector<128x128xf32>,
    %slice3A_71 = vector.extract_strided_slice %transpose3A {offsets = [4608, 0], sizes = [128, 32], strides = [1, 1]} : vector<8192x32xf32> to vector<128x32xf32>
    %slice3A_72 = vector.extract_strided_slice %transpose3A {offsets = [4736, 0], sizes = [128, 32], strides = [1, 1]} : vector<8192x32xf32> to vector<128x32xf32>
    %slice3A_73 = vector.extract_strided_slice %transpose3A {offsets = [4864, 0], sizes = [128, 32], strides = [1, 1]} : vector<8192x32xf32> to vector<128x32xf32>
    %slice3A_74 = vector.extract_strided_slice %transpose3A {offsets = [4992, 0], sizes = [128, 32], strides = [1, 1]} : vector<8192x32xf32> to vector<128x32xf32>
    %concatenate3A_75 = tpu.concatenate %slice3A_71, %slice3A_72, %slice3A_73, %slice3A_74 in 1 : vector<128x32xf32>, vector<128x32xf32>, vector<128x32xf32>, vector<128x32xf32> -> vector<128x128xf32>
    %swap3A_76 = arith.constant 1152 : index
    %swap3A_77 = arith.constant 0 : index
    %swap3A_78 = vector.load %arg2[%swap3A_76, %swap3A_77] : memref<2048x128xf32, #tpu.memory_space<vmem>>, vector<128x128xf32>
    tpu.vector_store %arg2[%swap3A_76, %swap3A_77], %concatenate3A_75 {strides = array<i32>} : memref<2048x128xf32, #tpu.memory_space<vmem>>, vector<128x128xf32>,
    %slice3A_79 = vector.extract_strided_slice %transpose3A {offsets = [5120, 0], sizes = [128, 32], strides = [1, 1]} : vector<8192x32xf32> to vector<128x32xf32>
    %slice3A_80 = vector.extract_strided_slice %transpose3A {offsets = [5248, 0], sizes = [128, 32], strides = [1, 1]} : vector<8192x32xf32> to vector<128x32xf32>
    %slice3A_81 = vector.extract_strided_slice %transpose3A {offsets = [5376, 0], sizes = [128, 32], strides = [1, 1]} : vector<8192x32xf32> to vector<128x32xf32>
    %slice3A_82 = vector.extract_strided_slice %transpose3A {offsets = [5504, 0], sizes = [128, 32], strides = [1, 1]} : vector<8192x32xf32> to vector<128x32xf32>
    %concatenate3A_83 = tpu.concatenate %slice3A_79, %slice3A_80, %slice3A_81, %slice3A_82 in 1 : vector<128x32xf32>, vector<128x32xf32>, vector<128x32xf32>, vector<128x32xf32> -> vector<128x128xf32>
    %swap3A_84 = arith.constant 1280 : index
    %swap3A_85 = arith.constant 0 : index
    %swap3A_86 = vector.load %arg2[%swap3A_84, %swap3A_85] : memref<2048x128xf32, #tpu.memory_space<vmem>>, vector<128x128xf32>
    tpu.vector_store %arg2[%swap3A_84, %swap3A_85], %concatenate3A_83 {strides = array<i32>} : memref<2048x128xf32, #tpu.memory_space<vmem>>, vector<128x128xf32>,
    %slice3A_87 = vector.extract_strided_slice %transpose3A {offsets = [5632, 0], sizes = [128, 32], strides = [1, 1]} : vector<8192x32xf32> to vector<128x32xf32>
    %slice3A_88 = vector.extract_strided_slice %transpose3A {offsets = [5760, 0], sizes = [128, 32], strides = [1, 1]} : vector<8192x32xf32> to vector<128x32xf32>
    %slice3A_89 = vector.extract_strided_slice %transpose3A {offsets = [5888, 0], sizes = [128, 32], strides = [1, 1]} : vector<8192x32xf32> to vector<128x32xf32>
    %slice3A_90 = vector.extract_strided_slice %transpose3A {offsets = [6016, 0], sizes = [128, 32], strides = [1, 1]} : vector<8192x32xf32> to vector<128x32xf32>
    %concatenate3A_91 = tpu.concatenate %slice3A_87, %slice3A_88, %slice3A_89, %slice3A_90 in 1 : vector<128x32xf32>, vector<128x32xf32>, vector<128x32xf32>, vector<128x32xf32> -> vector<128x128xf32>
    %swap3A_92 = arith.constant 1408 : index
    %swap3A_93 = arith.constant 0 : index
    %swap3A_94 = vector.load %arg2[%swap3A_92, %swap3A_93] : memref<2048x128xf32, #tpu.memory_space<vmem>>, vector<128x128xf32>
    tpu.vector_store %arg2[%swap3A_92, %swap3A_93], %concatenate3A_91 {strides = array<i32>} : memref<2048x128xf32, #tpu.memory_space<vmem>>, vector<128x128xf32>,
    %slice3A_95 = vector.extract_strided_slice %transpose3A {offsets = [6144, 0], sizes = [128, 32], strides = [1, 1]} : vector<8192x32xf32> to vector<128x32xf32>
    %slice3A_96 = vector.extract_strided_slice %transpose3A {offsets = [6272, 0], sizes = [128, 32], strides = [1, 1]} : vector<8192x32xf32> to vector<128x32xf32>
    %slice3A_97 = vector.extract_strided_slice %transpose3A {offsets = [6400, 0], sizes = [128, 32], strides = [1, 1]} : vector<8192x32xf32> to vector<128x32xf32>
    %slice3A_98 = vector.extract_strided_slice %transpose3A {offsets = [6528, 0], sizes = [128, 32], strides = [1, 1]} : vector<8192x32xf32> to vector<128x32xf32>
    %concatenate3A_99 = tpu.concatenate %slice3A_95, %slice3A_96, %slice3A_97, %slice3A_98 in 1 : vector<128x32xf32>, vector<128x32xf32>, vector<128x32xf32>, vector<128x32xf32> -> vector<128x128xf32>
    %swap3A_100 = arith.constant 1536 : index
    %swap3A_101 = arith.constant 0 : index
    %swap3A_102 = vector.load %arg2[%swap3A_100, %swap3A_101] : memref<2048x128xf32, #tpu.memory_space<vmem>>, vector<128x128xf32>
    tpu.vector_store %arg2[%swap3A_100, %swap3A_101], %concatenate3A_99 {strides = array<i32>} : memref<2048x128xf32, #tpu.memory_space<vmem>>, vector<128x128xf32>,
    %slice3A_103 = vector.extract_strided_slice %transpose3A {offsets = [6656, 0], sizes = [128, 32], strides = [1, 1]} : vector<8192x32xf32> to vector<128x32xf32>
    %slice3A_104 = vector.extract_strided_slice %transpose3A {offsets = [6784, 0], sizes = [128, 32], strides = [1, 1]} : vector<8192x32xf32> to vector<128x32xf32>
    %slice3A_105 = vector.extract_strided_slice %transpose3A {offsets = [6912, 0], sizes = [128, 32], strides = [1, 1]} : vector<8192x32xf32> to vector<128x32xf32>
    %slice3A_106 = vector.extract_strided_slice %transpose3A {offsets = [7040, 0], sizes = [128, 32], strides = [1, 1]} : vector<8192x32xf32> to vector<128x32xf32>
    %concatenate3A_107 = tpu.concatenate %slice3A_103, %slice3A_104, %slice3A_105, %slice3A_106 in 1 : vector<128x32xf32>, vector<128x32xf32>, vector<128x32xf32>, vector<128x32xf32> -> vector<128x128xf32>
    %swap3A_108 = arith.constant 1664 : index
    %swap3A_109 = arith.constant 0 : index
    %swap3A_110 = vector.load %arg2[%swap3A_108, %swap3A_109] : memref<2048x128xf32, #tpu.memory_space<vmem>>, vector<128x128xf32>
    tpu.vector_store %arg2[%swap3A_108, %swap3A_109], %concatenate3A_107 {strides = array<i32>} : memref<2048x128xf32, #tpu.memory_space<vmem>>, vector<128x128xf32>,
    %slice3A_111 = vector.extract_strided_slice %transpose3A {offsets = [7168, 0], sizes = [128, 32], strides = [1, 1]} : vector<8192x32xf32> to vector<128x32xf32>
    %slice3A_112 = vector.extract_strided_slice %transpose3A {offsets = [7296, 0], sizes = [128, 32], strides = [1, 1]} : vector<8192x32xf32> to vector<128x32xf32>
    %slice3A_113 = vector.extract_strided_slice %transpose3A {offsets = [7424, 0], sizes = [128, 32], strides = [1, 1]} : vector<8192x32xf32> to vector<128x32xf32>
    %slice3A_114 = vector.extract_strided_slice %transpose3A {offsets = [7552, 0], sizes = [128, 32], strides = [1, 1]} : vector<8192x32xf32> to vector<128x32xf32>
    %concatenate3A_115 = tpu.concatenate %slice3A_111, %slice3A_112, %slice3A_113, %slice3A_114 in 1 : vector<128x32xf32>, vector<128x32xf32>, vector<128x32xf32>, vector<128x32xf32> -> vector<128x128xf32>
    %swap3A_116 = arith.constant 1792 : index
    %swap3A_117 = arith.constant 0 : index
    %swap3A_118 = vector.load %arg2[%swap3A_116, %swap3A_117] : memref<2048x128xf32, #tpu.memory_space<vmem>>, vector<128x128xf32>
    tpu.vector_store %arg2[%swap3A_116, %swap3A_117], %concatenate3A_115 {strides = array<i32>} : memref<2048x128xf32, #tpu.memory_space<vmem>>, vector<128x128xf32>,
    %slice3A_119 = vector.extract_strided_slice %transpose3A {offsets = [7680, 0], sizes = [128, 32], strides = [1, 1]} : vector<8192x32xf32> to vector<128x32xf32>
    %slice3A_120 = vector.extract_strided_slice %transpose3A {offsets = [7808, 0], sizes = [128, 32], strides = [1, 1]} : vector<8192x32xf32> to vector<128x32xf32>
    %slice3A_121 = vector.extract_strided_slice %transpose3A {offsets = [7936, 0], sizes = [128, 32], strides = [1, 1]} : vector<8192x32xf32> to vector<128x32xf32>
    %slice3A_122 = vector.extract_strided_slice %transpose3A {offsets = [8064, 0], sizes = [128, 32], strides = [1, 1]} : vector<8192x32xf32> to vector<128x32xf32>
    %concatenate3A_123 = tpu.concatenate %slice3A_119, %slice3A_120, %slice3A_121, %slice3A_122 in 1 : vector<128x32xf32>, vector<128x32xf32>, vector<128x32xf32>, vector<128x32xf32> -> vector<128x128xf32>
    %swap3A_124 = arith.constant 1920 : index
    %swap3A_125 = arith.constant 0 : index
    %swap3A_126 = vector.load %arg2[%swap3A_124, %swap3A_125] : memref<2048x128xf32, #tpu.memory_space<vmem>>, vector<128x128xf32>
    tpu.vector_store %arg2[%swap3A_124, %swap3A_125], %concatenate3A_123 {strides = array<i32>} : memref<2048x128xf32, #tpu.memory_space<vmem>>, vector<128x128xf32>,
    return
  }
  func.func @transform_0(%arg0: i32) -> (i32, i32) {
    %c0_i32 = arith.constant 0 : i32
    %c0_i32_0 = arith.constant 0 : i32
    return %c0_i32, %arg0 : i32, i32
  }
  func.func @transform_1(%arg0: i32) -> (i32, i32) {
    %c0_i32 = arith.constant 0 : i32
    %c0_i32_0 = arith.constant 0 : i32
    return %arg0, %c0_i32 : i32, i32
  }
}

module attributes {stable_mosaic.version = 14 : i64} {
  func.func @_mlp_body(%arg0: i32, %arg1: memref<2048x1xi32, #tpu.memory_space<vmem>>, %arg2: memref<2048x1xi32, #tpu.memory_space<vmem>>, %arg3: memref<2048x128xf32, #tpu.memory_space<vmem>>, %arg4: memref<2048x128xf32, #tpu.memory_space<vmem>>, %arg5: memref<32x64xf32, #tpu.memory_space<vmem>>, %arg6: memref<32x64xf32, #tpu.memory_space<vmem>>, %arg7: memref<1x64xf32, #tpu.memory_space<vmem>>, %arg8: memref<64x32xf32, #tpu.memory_space<vmem>>, %arg9: memref<1x32xf32, #tpu.memory_space<vmem>>, %arg10: memref<32x2048xf32, #tpu.memory_space<vmem>>) attributes {dimension_semantics = [#tpu.dimension_semantics<arbitrary>], iteration_bounds = array<i64: 8>, scalar_prefetch = 0 : i64, scratch_operands = 0 : i64, tpu.core_type = #tpu.core_type<tc>, window_params = [{transform_indices = @transform_0, window_bounds = array<i64: 2048, 1>}, {transform_indices = @transform_1, window_bounds = array<i64: 2048, 1>}, {transform_indices = @transform_2, window_bounds = array<i64: 2048, 128>}, {transform_indices = @transform_3, window_bounds = array<i64: 2048, 128>}, {pipeline_mode = #tpu.pipeline_mode<synchronous>, transform_indices = @transform_4, window_bounds = array<i64: 32, 64>}, {pipeline_mode = #tpu.pipeline_mode<synchronous>, transform_indices = @transform_5, window_bounds = array<i64: 32, 64>}, {pipeline_mode = #tpu.pipeline_mode<synchronous>, transform_indices = @transform_6, window_bounds = array<i64: 1, 64>}, {pipeline_mode = #tpu.pipeline_mode<synchronous>, transform_indices = @transform_7, window_bounds = array<i64: 64, 32>}, {pipeline_mode = #tpu.pipeline_mode<synchronous>, transform_indices = @transform_8, window_bounds = array<i64: 1, 32>}, {transform_indices = @transform_9, window_bounds = array<i64: 32, 2048>}]} {
    %get3A = arith.constant 0 : index
    %get3A_0 = arith.constant 0 : index
    %get3A_1 = vector.load %arg1[%get3A, %get3A_0] : memref<2048x1xi32, #tpu.memory_space<vmem>>, vector<2048x1xi32>
    %shift_right_logical3A = arith.constant 7 : i32
    %shift_right_logical3A_2 = vector.broadcast %shift_right_logical3A : i32 to vector<2048x1xi32>
    %shift_right_logical3A_3 = arith.shrui %get3A_1, %shift_right_logical3A_2 : vector<2048x1xi32>
    %and3A = arith.constant 3 : i32
    %and3A_4 = vector.broadcast %and3A : i32 to vector<2048x1xi32>
    %and3A_5 = arith.andi %shift_right_logical3A_3, %and3A_4 : vector<2048x1xi32>
    %get3A_6 = arith.constant 0 : index
    %get3A_7 = arith.constant 0 : index
    %get3A_8 = vector.load %arg2[%get3A_6, %get3A_7] : memref<2048x1xi32, #tpu.memory_space<vmem>>, vector<2048x1xi32>
    %shift_right_logical3A_9 = arith.constant 7 : i32
    %shift_right_logical3A_10 = vector.broadcast %shift_right_logical3A_9 : i32 to vector<2048x1xi32>
    %shift_right_logical3A_11 = arith.shrui %get3A_8, %shift_right_logical3A_10 : vector<2048x1xi32>
    %and3A_12 = arith.constant 3 : i32
    %and3A_13 = vector.broadcast %and3A_12 : i32 to vector<2048x1xi32>
    %and3A_14 = arith.andi %shift_right_logical3A_11, %and3A_13 : vector<2048x1xi32>
    %get3A_15 = arith.constant 0 : index
    %get3A_16 = arith.constant 0 : index
    %get3A_17 = vector.load %arg3[%get3A_15, %get3A_16] : memref<2048x128xf32, #tpu.memory_space<vmem>>, vector<2048x128xf32>
    %get3A_18 = arith.constant 0 : index
    %get3A_19 = arith.constant 0 : index
    %get3A_20 = vector.load %arg4[%get3A_18, %get3A_19] : memref<2048x128xf32, #tpu.memory_space<vmem>>, vector<2048x128xf32>
    %broadcast_in_dim3A = arith.constant 0.000000e+00 : f32
    %broadcast_in_dim3A_21 = vector.broadcast %broadcast_in_dim3A : f32 to vector<2048x32xf32>
    %broadcast_in_dim3A_22 = arith.constant 0.000000e+00 : f32
    %broadcast_in_dim3A_23 = vector.broadcast %broadcast_in_dim3A_22 : f32 to vector<2048x32xf32>
    %eq3A = arith.constant 0 : i32
    %eq3A_24 = vector.broadcast %eq3A : i32 to vector<2048x1xi32>
    %eq3A_25 = arith.cmpi eq, %and3A_5, %eq3A_24 : vector<2048x1xi32>
    %slice3A = vector.extract_strided_slice %get3A_17 {offsets = [0, 0], sizes = [2048, 32], strides = [1, 1]} : vector<2048x128xf32> to vector<2048x32xf32>
    %jit3A = arith.constant 0.000000e+00 : f32
    %broadcast_in_dim3A_26 = vector.shape_cast %eq3A_25 : vector<2048x1xi1> to vector<2048x1xi1>
    %broadcast_in_dim3A_27 = vector.broadcast %broadcast_in_dim3A_26 : vector<2048x1xi1> to vector<2048x32xi1>
    %broadcast_in_dim3A_28 = vector.broadcast %jit3A : f32 to vector<2048x32xf32>
    %select_n3A = arith.select %broadcast_in_dim3A_27, %slice3A, %broadcast_in_dim3A_28 : vector<2048x32xi1>, vector<2048x32xf32>
    %add3A = arith.addf %broadcast_in_dim3A_21, %select_n3A : vector<2048x32xf32>
    %eq3A_29 = arith.constant 0 : i32
    %eq3A_30 = vector.broadcast %eq3A_29 : i32 to vector<2048x1xi32>
    %eq3A_31 = arith.cmpi eq, %and3A_14, %eq3A_30 : vector<2048x1xi32>
    %slice3A_32 = vector.extract_strided_slice %get3A_20 {offsets = [0, 0], sizes = [2048, 32], strides = [1, 1]} : vector<2048x128xf32> to vector<2048x32xf32>
    %jit3A_33 = arith.constant 0.000000e+00 : f32
    %broadcast_in_dim3A_34 = vector.shape_cast %eq3A_31 : vector<2048x1xi1> to vector<2048x1xi1>
    %broadcast_in_dim3A_35 = vector.broadcast %broadcast_in_dim3A_34 : vector<2048x1xi1> to vector<2048x32xi1>
    %broadcast_in_dim3A_36 = vector.broadcast %jit3A_33 : f32 to vector<2048x32xf32>
    %select_n3A_37 = arith.select %broadcast_in_dim3A_35, %slice3A_32, %broadcast_in_dim3A_36 : vector<2048x32xi1>, vector<2048x32xf32>
    %add3A_38 = arith.addf %broadcast_in_dim3A_23, %select_n3A_37 : vector<2048x32xf32>
    %eq3A_39 = arith.constant 1 : i32
    %eq3A_40 = vector.broadcast %eq3A_39 : i32 to vector<2048x1xi32>
    %eq3A_41 = arith.cmpi eq, %and3A_5, %eq3A_40 : vector<2048x1xi32>
    %slice3A_42 = vector.extract_strided_slice %get3A_17 {offsets = [0, 32], sizes = [2048, 32], strides = [1, 1]} : vector<2048x128xf32> to vector<2048x32xf32>
    %jit3A_43 = arith.constant 0.000000e+00 : f32
    %broadcast_in_dim3A_44 = vector.shape_cast %eq3A_41 : vector<2048x1xi1> to vector<2048x1xi1>
    %broadcast_in_dim3A_45 = vector.broadcast %broadcast_in_dim3A_44 : vector<2048x1xi1> to vector<2048x32xi1>
    %broadcast_in_dim3A_46 = vector.broadcast %jit3A_43 : f32 to vector<2048x32xf32>
    %select_n3A_47 = arith.select %broadcast_in_dim3A_45, %slice3A_42, %broadcast_in_dim3A_46 : vector<2048x32xi1>, vector<2048x32xf32>
    %add3A_48 = arith.addf %add3A, %select_n3A_47 : vector<2048x32xf32>
    %eq3A_49 = arith.constant 1 : i32
    %eq3A_50 = vector.broadcast %eq3A_49 : i32 to vector<2048x1xi32>
    %eq3A_51 = arith.cmpi eq, %and3A_14, %eq3A_50 : vector<2048x1xi32>
    %slice3A_52 = vector.extract_strided_slice %get3A_20 {offsets = [0, 32], sizes = [2048, 32], strides = [1, 1]} : vector<2048x128xf32> to vector<2048x32xf32>
    %jit3A_53 = arith.constant 0.000000e+00 : f32
    %broadcast_in_dim3A_54 = vector.shape_cast %eq3A_51 : vector<2048x1xi1> to vector<2048x1xi1>
    %broadcast_in_dim3A_55 = vector.broadcast %broadcast_in_dim3A_54 : vector<2048x1xi1> to vector<2048x32xi1>
    %broadcast_in_dim3A_56 = vector.broadcast %jit3A_53 : f32 to vector<2048x32xf32>
    %select_n3A_57 = arith.select %broadcast_in_dim3A_55, %slice3A_52, %broadcast_in_dim3A_56 : vector<2048x32xi1>, vector<2048x32xf32>
    %add3A_58 = arith.addf %add3A_38, %select_n3A_57 : vector<2048x32xf32>
    %eq3A_59 = arith.constant 2 : i32
    %eq3A_60 = vector.broadcast %eq3A_59 : i32 to vector<2048x1xi32>
    %eq3A_61 = arith.cmpi eq, %and3A_5, %eq3A_60 : vector<2048x1xi32>
    %slice3A_62 = vector.extract_strided_slice %get3A_17 {offsets = [0, 64], sizes = [2048, 32], strides = [1, 1]} : vector<2048x128xf32> to vector<2048x32xf32>
    %jit3A_63 = arith.constant 0.000000e+00 : f32
    %broadcast_in_dim3A_64 = vector.shape_cast %eq3A_61 : vector<2048x1xi1> to vector<2048x1xi1>
    %broadcast_in_dim3A_65 = vector.broadcast %broadcast_in_dim3A_64 : vector<2048x1xi1> to vector<2048x32xi1>
    %broadcast_in_dim3A_66 = vector.broadcast %jit3A_63 : f32 to vector<2048x32xf32>
    %select_n3A_67 = arith.select %broadcast_in_dim3A_65, %slice3A_62, %broadcast_in_dim3A_66 : vector<2048x32xi1>, vector<2048x32xf32>
    %add3A_68 = arith.addf %add3A_48, %select_n3A_67 : vector<2048x32xf32>
    %eq3A_69 = arith.constant 2 : i32
    %eq3A_70 = vector.broadcast %eq3A_69 : i32 to vector<2048x1xi32>
    %eq3A_71 = arith.cmpi eq, %and3A_14, %eq3A_70 : vector<2048x1xi32>
    %slice3A_72 = vector.extract_strided_slice %get3A_20 {offsets = [0, 64], sizes = [2048, 32], strides = [1, 1]} : vector<2048x128xf32> to vector<2048x32xf32>
    %jit3A_73 = arith.constant 0.000000e+00 : f32
    %broadcast_in_dim3A_74 = vector.shape_cast %eq3A_71 : vector<2048x1xi1> to vector<2048x1xi1>
    %broadcast_in_dim3A_75 = vector.broadcast %broadcast_in_dim3A_74 : vector<2048x1xi1> to vector<2048x32xi1>
    %broadcast_in_dim3A_76 = vector.broadcast %jit3A_73 : f32 to vector<2048x32xf32>
    %select_n3A_77 = arith.select %broadcast_in_dim3A_75, %slice3A_72, %broadcast_in_dim3A_76 : vector<2048x32xi1>, vector<2048x32xf32>
    %add3A_78 = arith.addf %add3A_58, %select_n3A_77 : vector<2048x32xf32>
    %eq3A_79 = arith.constant 3 : i32
    %eq3A_80 = vector.broadcast %eq3A_79 : i32 to vector<2048x1xi32>
    %eq3A_81 = arith.cmpi eq, %and3A_5, %eq3A_80 : vector<2048x1xi32>
    %slice3A_82 = vector.extract_strided_slice %get3A_17 {offsets = [0, 96], sizes = [2048, 32], strides = [1, 1]} : vector<2048x128xf32> to vector<2048x32xf32>
    %jit3A_83 = arith.constant 0.000000e+00 : f32
    %broadcast_in_dim3A_84 = vector.shape_cast %eq3A_81 : vector<2048x1xi1> to vector<2048x1xi1>
    %broadcast_in_dim3A_85 = vector.broadcast %broadcast_in_dim3A_84 : vector<2048x1xi1> to vector<2048x32xi1>
    %broadcast_in_dim3A_86 = vector.broadcast %jit3A_83 : f32 to vector<2048x32xf32>
    %select_n3A_87 = arith.select %broadcast_in_dim3A_85, %slice3A_82, %broadcast_in_dim3A_86 : vector<2048x32xi1>, vector<2048x32xf32>
    %add3A_88 = arith.addf %add3A_68, %select_n3A_87 : vector<2048x32xf32>
    %eq3A_89 = arith.constant 3 : i32
    %eq3A_90 = vector.broadcast %eq3A_89 : i32 to vector<2048x1xi32>
    %eq3A_91 = arith.cmpi eq, %and3A_14, %eq3A_90 : vector<2048x1xi32>
    %slice3A_92 = vector.extract_strided_slice %get3A_20 {offsets = [0, 96], sizes = [2048, 32], strides = [1, 1]} : vector<2048x128xf32> to vector<2048x32xf32>
    %jit3A_93 = arith.constant 0.000000e+00 : f32
    %broadcast_in_dim3A_94 = vector.shape_cast %eq3A_91 : vector<2048x1xi1> to vector<2048x1xi1>
    %broadcast_in_dim3A_95 = vector.broadcast %broadcast_in_dim3A_94 : vector<2048x1xi1> to vector<2048x32xi1>
    %broadcast_in_dim3A_96 = vector.broadcast %jit3A_93 : f32 to vector<2048x32xf32>
    %select_n3A_97 = arith.select %broadcast_in_dim3A_95, %slice3A_92, %broadcast_in_dim3A_96 : vector<2048x32xi1>, vector<2048x32xf32>
    %add3A_98 = arith.addf %add3A_78, %select_n3A_97 : vector<2048x32xf32>
    %get3A_99 = arith.constant 0 : index
    %get3A_100 = arith.constant 0 : index
    %get3A_101 = vector.load %arg5[%get3A_99, %get3A_100] : memref<32x64xf32, #tpu.memory_space<vmem>>, vector<32x64xf32>
    %dot_general3A = arith.constant dense<0.000000e+00> : vector<2048x64xf32>
    %dot_general3A_102 = tpu.matmul %add3A_88, %get3A_101, %dot_general3A {dimension_numbers = #tpu.dot_dimension_numbers<[1], [0], [0], [1], [0, 0, 1, 1], [], []>, transpose_lhs_hint = false} : vector<2048x32xf32>, vector<32x64xf32>, vector<2048x64xf32> -> vector<2048x64xf32>
    %get3A_103 = arith.constant 0 : index
    %get3A_104 = arith.constant 0 : index
    %get3A_105 = vector.load %arg6[%get3A_103, %get3A_104] : memref<32x64xf32, #tpu.memory_space<vmem>>, vector<32x64xf32>
    %dot_general3A_106 = arith.constant dense<0.000000e+00> : vector<2048x64xf32>
    %dot_general3A_107 = tpu.matmul %add3A_98, %get3A_105, %dot_general3A_106 {dimension_numbers = #tpu.dot_dimension_numbers<[1], [0], [0], [1], [0, 0, 1, 1], [], []>, transpose_lhs_hint = false} : vector<2048x32xf32>, vector<32x64xf32>, vector<2048x64xf32> -> vector<2048x64xf32>
    %add3A_108 = arith.addf %dot_general3A_102, %dot_general3A_107 : vector<2048x64xf32>
    %get3A_109 = arith.constant 0 : index
    %get3A_110 = arith.constant 0 : index
    %get3A_111 = vector.load %arg7[%get3A_109, %get3A_110] : memref<1x64xf32, #tpu.memory_space<vmem>>, vector<1x64xf32>
    %add3A_112 = vector.broadcast %get3A_111 : vector<1x64xf32> to vector<2048x64xf32>
    %add3A_113 = arith.addf %add3A_108, %add3A_112 : vector<2048x64xf32>
    %max3A = arith.constant 0.000000e+00 : f32
    %max3A_114 = vector.broadcast %max3A : f32 to vector<2048x64xf32>
    %max3A_115 = arith.maximumf %add3A_113, %max3A_114 : vector<2048x64xf32>
    %get3A_116 = arith.constant 0 : index
    %get3A_117 = arith.constant 0 : index
    %get3A_118 = vector.load %arg8[%get3A_116, %get3A_117] : memref<64x32xf32, #tpu.memory_space<vmem>>, vector<64x32xf32>
    %dot_general3A_119 = arith.constant dense<0.000000e+00> : vector<2048x32xf32>
    %dot_general3A_120 = tpu.matmul %max3A_115, %get3A_118, %dot_general3A_119 {dimension_numbers = #tpu.dot_dimension_numbers<[1], [0], [0], [1], [0, 0, 1, 1], [], []>, transpose_lhs_hint = false} : vector<2048x64xf32>, vector<64x32xf32>, vector<2048x32xf32> -> vector<2048x32xf32>
    %get3A_121 = arith.constant 0 : index
    %get3A_122 = arith.constant 0 : index
    %get3A_123 = vector.load %arg9[%get3A_121, %get3A_122] : memref<1x32xf32, #tpu.memory_space<vmem>>, vector<1x32xf32>
    %add3A_124 = vector.broadcast %get3A_123 : vector<1x32xf32> to vector<2048x32xf32>
    %add3A_125 = arith.addf %dot_general3A_120, %add3A_124 : vector<2048x32xf32>
    %max3A_126 = arith.constant 0.000000e+00 : f32
    %max3A_127 = vector.broadcast %max3A_126 : f32 to vector<2048x32xf32>
    %max3A_128 = arith.maximumf %add3A_125, %max3A_127 : vector<2048x32xf32>
    %transpose3A = tpu.transpose %max3A_128, [1, 0] : vector<2048x32xf32> -> vector<32x2048xf32>
    %swap3A = arith.constant 0 : index
    %swap3A_129 = arith.constant 0 : index
    %swap3A_130 = vector.load %arg10[%swap3A, %swap3A_129] : memref<32x2048xf32, #tpu.memory_space<vmem>>, vector<32x2048xf32>
    tpu.vector_store %arg10[%swap3A, %swap3A_129], %transpose3A {strides = array<i32>} : memref<32x2048xf32, #tpu.memory_space<vmem>>, vector<32x2048xf32>,
    return
  }
  func.func @transform_0(%arg0: i32) -> (i32, i32) {
    %c0_i32 = arith.constant 0 : i32
    %c0_i32_0 = arith.constant 0 : i32
    return %arg0, %c0_i32 : i32, i32
  }
  func.func @transform_1(%arg0: i32) -> (i32, i32) {
    %c0_i32 = arith.constant 0 : i32
    %c0_i32_0 = arith.constant 0 : i32
    return %arg0, %c0_i32 : i32, i32
  }
  func.func @transform_2(%arg0: i32) -> (i32, i32) {
    %c0_i32 = arith.constant 0 : i32
    %c0_i32_0 = arith.constant 0 : i32
    return %arg0, %c0_i32 : i32, i32
  }
  func.func @transform_3(%arg0: i32) -> (i32, i32) {
    %c0_i32 = arith.constant 0 : i32
    %c0_i32_0 = arith.constant 0 : i32
    return %arg0, %c0_i32 : i32, i32
  }
  func.func @transform_4(%arg0: i32) -> (i32, i32) {
    %c0_i32 = arith.constant 0 : i32
    %c0_i32_0 = arith.constant 0 : i32
    %c0_i32_1 = arith.constant 0 : i32
    return %c0_i32, %c0_i32_0 : i32, i32
  }
  func.func @transform_5(%arg0: i32) -> (i32, i32) {
    %c0_i32 = arith.constant 0 : i32
    %c0_i32_0 = arith.constant 0 : i32
    %c0_i32_1 = arith.constant 0 : i32
    return %c0_i32, %c0_i32_0 : i32, i32
  }
  func.func @transform_6(%arg0: i32) -> (i32, i32) {
    %c0_i32 = arith.constant 0 : i32
    %c0_i32_0 = arith.constant 0 : i32
    %c0_i32_1 = arith.constant 0 : i32
    return %c0_i32, %c0_i32_0 : i32, i32
  }
  func.func @transform_7(%arg0: i32) -> (i32, i32) {
    %c0_i32 = arith.constant 0 : i32
    %c0_i32_0 = arith.constant 0 : i32
    %c0_i32_1 = arith.constant 0 : i32
    return %c0_i32, %c0_i32_0 : i32, i32
  }
  func.func @transform_8(%arg0: i32) -> (i32, i32) {
    %c0_i32 = arith.constant 0 : i32
    %c0_i32_0 = arith.constant 0 : i32
    %c0_i32_1 = arith.constant 0 : i32
    return %c0_i32, %c0_i32_0 : i32, i32
  }
  func.func @transform_9(%arg0: i32) -> (i32, i32) {
    %c0_i32 = arith.constant 0 : i32
    %c0_i32_0 = arith.constant 0 : i32
    return %c0_i32, %arg0 : i32, i32
  }
}

</mosaic_0001>

<sc_bundles>
// kernel: kernel.6.cloned.1.call-start
scs
__scs_entry_jumppad:
0x0: {  	(pc) =	sbr.rel $0x88, $3  }
0x1: {  	(tag) =	ssettag $0x0;
	lr =	simm.s32 $0x1  }
0x2: {  	[smem:$0x3F99] =	sst lr;
	_ =	strace $0xD0000000  }
0x3: {  	_ = 	snop  }
0x4: {  	_ = 	snop  }
0x5: {  	_ = 	snop  }
0x6: {  	_ = 	snop  }
0x7: {  	_ = 	snop  }
__scs_overlays_trampoline_lowered:
0x8: {  	[smem:$0x3FA8] =	sst s0  }
0x9: {  	[smem:$0x3FA9] =	sst s1  }
0xa: {  	[smem:$0x3FAA] =	sst s2  }
0xb: {  	[smem:$0x3FAB] =	sst s3  }
0xc: {  	[smem:$0x3FAC] =	sst s4  }
0xd: {  	[smem:$0x3FAD] =	sst s5  }
0xe: {  	[smem:$0x3FAE] =	sst s6  }
0xf: {  	[smem:$0x3FAF] =	sst s7  }
0x10: {  	[smem:$0x3FB0] =	sst s8  }
0x11: {  	[smem:$0x3FB1] =	sst s9;
	s0 =	simm.s32 @!p0 $0x0  }
0x12: {  	s1 =	sld [smem:$0x3F97];
	s0 =	simm.s32 @p0 $0x1  }
0x13: {  	[smem:$0x3FB2] =	sst s0;
	s0 =	simm.s32 @!p1 $0x0  }
0x14: {  	s2 =	sld [smem:$0x3F96];
	s0 =	simm.s32 @p1 $0x1  }
0x15: {  	[smem:$0x3FB3] =	sst s0;
	s0 =	simm.s32 @!p2 $0x0  }
0x16: {  	s3 =	sld [smem:$0x3FDB];
	s0 =	simm.s32 @p2 $0x1  }
0x17: {  	s4 =	simm.s32 $0x1BF5;
	[smem:$0x3FB5] =	sst s0  }
0x18: {  	s0 =	sld [smem:$0x3F98];
	_ =	swait.ge [sflag:s4], $0x0  }
0x19: {  	s7 =	sld [smem:$0x3F99]  }
0x1a: {  	s8 =	sadd.s32 $0xFFFFE003, lr  }
0x1b: {  	s9 =	sadd.s32 $0xFFFFFEF7, lr;
	s5 =	simm.s32 $0xFFFFFFFF;
	p2 =	slt.u32 s8, $0xFFFFF086  }
0x1c: {  	p1 =	slt.u32 s9, $0xF7A;
	s5 =	simm.s32 @!p2 $0x0  }
0x1d: {  	s5 =	simm.s32 @p1 $0x1;
	p0 =	seq.s32 s7, s2  }
0x1e: {  	s7 =	smul.u32 @!p0 $0xF7A, s2;
	p2 =	seq.s32 @!p0 s5, $0x0  }
0x1f: {  	s9 =	smul.u32 $0xF7A, s1;
	s8 =	simm.s32 @!p0 $0x1BF5;
	p2 =	por !p2, p0  }
0x20: {  	[sflag:s8] =	ssyncset.s32 @!p0 $0xFFFFF086;
	s6 =	sadd.s32 @!p0 s3, s7;
	s7 =	simm.s32 @!p0 $0x108  }
0x21: {  	s3 =	sadd.s32 s3, s9;
	s6 =	sadd.s32 @!p0 $0x88, s6;
	s7 =	simm.s32 @p2 $0x1082  }
0x22: {  	[simem:s7], [sflag:s8] =	dma.local @!p0 [hbm:s6], $0xF7A  }
0x23: {  	s9 =	sor.u32 $0xD0000000, s2;
	s6 =	simm.s32 $0x108;
	_ =	swait.ge @!p0 [sflag:s8], $0x0  }
0x24: {  	s3 =	sadd.s32 $0x88, s3;
	s6 =	simm.s32 @!p1 $0x1082;
	[sflag:s4] =	ssyncset.s32 $0xFFFFF086  }
0x25: {  	[simem:s6], [sflag:s4] =	dma.local [hbm:s3], $0xF7A  }
0x26: {  	[smem:$0x3F99] =	sst s1;
	(tag) =	ssettag s2;
	_ =	strace s9  }
0x27: {  	s1 =	sld [smem:$0x3FA9]  }
0x28: {  	s2 =	sld [smem:$0x3FAA]  }
0x29: {  	s4 =	sld [smem:$0x3FAC]  }
0x2a: {  	p0 =	seq.s32 s5, $0x0;
	s5 =	sld [smem:$0x3FAD]  }
0x2b: {  	s6 =	sld [smem:$0x3FAE]  }
0x2c: {  	s7 =	sld [smem:$0x3FAF]  }
0x2d: {  	s3 =	simm.s32 $0x108;
	s8 =	sld [smem:$0x3FB0]  }
0x2e: {  	s3 =	simm.s32 @!p0 $0x1082;
	s9 =	sld [smem:$0x3FB1]  }
0x2f: {  	lr =	sadd.s32 s0, s3;
	s0 =	sld [smem:$0x3FA8]  }
0x30: {  	s3 =	sld [smem:$0x3FAB]  }
0x31: {  	[smem:$0x3FB4] =	sst s10  }
0x32: {  	s10 =	sld [smem:$0x3FB2];
	_ =	sdelay $0x3  }
0x33: {  	p0 =	seq.s32 s10, $0x1;
	s10 =	sld [smem:$0x3FB4];
	_ =	sdelay $0x3  }
0x34: {  	[smem:$0x3FB4] =	sst s10  }
0x35: {  	s10 =	sld [smem:$0x3FB3];
	_ =	sdelay $0x3  }
0x36: {  	p1 =	seq.s32 s10, $0x1;
	s10 =	sld [smem:$0x3FB4];
	_ =	sdelay $0x3  }
0x37: {  	[smem:$0x3FB4] =	sst s10  }
0x38: {  	s10 =	sld [smem:$0x3FB5]  }
0x39: {  	_ = 	snop;
	(pc) =	sbr.ind lr, $3  }
0x3a: {  	_ = 	snop  }
0x3b: {  	_ = 	snop  }
0x3c: {  	p2 =	seq.s32 s10, $0x1;
	s10 =	sld [smem:$0x3FB4]  }
0x3d: {  	_ =	shalt  }
0x3e: {  	_ =	shalt  }
0x3f: {  	_ =	shalt  }
0x40: {  	_ =	shalt  }
0x41: {  	_ =	shalt  }
0x42: {  	_ =	shalt  }
0x43: {  	_ =	shalt  }
0x44: {  	_ =	shalt  }
0x45: {  	_ =	shalt  }
0x46: {  	_ =	shalt  }
0x47: {  	_ =	shalt  }
0x48: {  	_ =	shalt  }
0x49: {  	_ =	shalt  }
0x4a: {  	_ =	shalt  }
0x4b: {  	_ =	shalt  }
0x4c: {  	_ =	shalt  }
0x4d: {  	_ =	shalt  }
0x4e: {  	_ =	shalt  }
0x4f: {  	_ =	shalt  }
0x50: {  	_ =	shalt  }
0x51: {  	_ =	shalt  }
0x52: {  	_ =	shalt  }
0x53: {  	_ =	shalt  }
0x54: {  	_ =	shalt  }
0x55: {  	_ =	shalt  }
0x56: {  	_ =	shalt  }
0x57: {  	_ =	shalt  }
0x58: {  	_ =	shalt  }
0x59: {  	_ =	shalt  }
0x5a: {  	_ =	shalt  }
0x5b: {  	_ =	shalt  }
0x5c: {  	_ =	shalt  }
0x5d: {  	_ =	shalt  }
0x5e: {  	_ =	shalt  }
0x5f: {  	_ =	shalt  }
0x60: {  	_ =	shalt  }
0x61: {  	_ =	shalt  }
0x62: {  	_ =	shalt  }
0x63: {  	_ =	shalt  }
0x64: {  	_ =	shalt  }
0x65: {  	_ =	shalt  }
0x66: {  	_ =	shalt  }
0x67: {  	_ =	shalt  }
0x68: {  	_ =	shalt  }
0x69: {  	_ =	shalt  }
0x6a: {  	_ =	shalt  }
0x6b: {  	_ =	shalt  }
0x6c: {  	_ =	shalt  }
0x6d: {  	_ =	shalt  }
0x6e: {  	_ =	shalt  }
0x6f: {  	_ =	shalt  }
0x70: {  	_ =	shalt  }
0x71: {  	_ =	shalt  }
0x72: {  	_ =	shalt  }
0x73: {  	_ =	shalt  }
0x74: {  	_ =	shalt  }
0x75: {  	_ =	shalt  }
0x76: {  	_ =	shalt  }
0x77: {  	_ =	shalt  }
0x78: {  	_ =	shalt  }
0x79: {  	_ =	shalt  }
0x7a: {  	_ =	shalt  }
0x7b: {  	_ =	shalt  }
0x7c: {  	_ =	shalt  }
0x7d: {  	_ =	shalt  }
0x7e: {  	_ =	shalt  }
0x7f: {  	_ =	shalt  }
0x80: {  	_ =	shalt  }
0x81: {  	_ =	shalt  }
0x82: {  	_ =	shalt  }
0x83: {  	_ =	shalt  }
0x84: {  	_ =	shalt  }
0x85: {  	_ =	shalt  }
0x86: {  	_ =	shalt  }
0x87: {  	_ =	shalt  }
.Lfunc_end0:
.L_simem_size_0:
called_computation_lowered:
.L_overlay_start_0:
0x88: {  	s2 =	sld [smem:$0x3FD9]  }
0x89: {  	s3 =	sld [smem:$0x3FFE];
	_ =	sdelay $0x1  }
0x8a: {  	s1 =	srdreg.scid  }
0x8b: {  	s0 =	sand.u32 $0x1, s1  }
0x8c: {  	s17 =	sshll.u32 s0, $0xA;
	s2 =	sadd.s32 s3, s2  }
0x8d: {  	s2 =	sadd.s32 s2, s17  }
0x8e: {  	[smem:$0x3FC0] =	sst s2  }
0x8f: {  	_ = 	snop  }
0x90: {  	s2 =	sld [smem:$0x3FC9]  }
0x91: {  	s18 =	sld [smem:$0x3FC8];
	(tm) =	ssettm $0x1  }
0x92: {  	s4 =	sld [smem:$0x3FFB];
	_ =	sdelay $0x3  }
0x93: {  	_ =	strace s4  }
0x94: {  	s4 =	sld [smem:$0x3FFC];
	_ =	sdelay $0x3  }
0x95: {  	_ =	strace s4  }
0x96: {  	s4 =	sld [smem:$0x3FFD];
	_ =	sdelay $0x3  }
0x97: {  	_ =	strace s4  }
0x98: {  	_ =	strace $0x8FFFFFFF  }
0x99: {  	s19 =	sld [smem:$0x3FDB];
	_ =	sdelay $0x1  }
0x9a: {  	s5 =	simm.s32 $_scs_section_size  }
0x9b: {  	s6 =	simm.s32 $_size__tile_overlayer_lowered;
	s7 =	simm.s32 $_tile_overlayer_lowered  }
0x9c: {  	s22 =	simm.s32 $0x1BFF;
	s21 =	sshll.u32 s7, $0x1;
	s4 =	sadd.s32 s5, s19  }
0x9d: {  	s8 =	simm.s32 $0x0;
	s20 =	sshll.u32 s6, $0x1;
	s6 =	sadd.s32 s21, s4  }
0x9e: {  	[timem:s8], [sflag:s22] =	dma.local [hbm:s6], s20  }
0x9f: {  	_ =	swait.ge [sflag:s22], s20  }
0xa0: {  	s5 =	ssub.s32 $0x0, s20;
	[sflag:s22] =	ssyncset.done $0x0  }
0xa1: {  	[sflag:s22] =	ssyncadd.s32 s5;
	_ =	sdelay $0x1  }
0xa2: {  	s23 =	simm.s32 $0x1B8B  }
0xa3: {  	_ =	swait.ge [sflag:s23], $0x1  }
0xa4: {  	[sflag:s23] =	ssyncset.done $0x0  }
0xa5: {  	s25 =	simm.s32 $0x1B8E;
	s24 =	sld [smem:$0x3FFE];
	[sflag:s23] =	ssyncadd.s32 $0xFFFFFFFF  }
0xa6: {  	s26 =	simm.s32 $execute0_lowered;
	[smem:$0x3FD2] =	sst s25  }
0xa7: {  	s6 =	sshll.u32 s26, $0x1;
	_ =	strace $0x80000046;
	[dreg:$0x1] =	wrdreg $0xFFFFFFFF  }
0xa8: {  	s28 =	simm.s32 $_size_execute0_lowered;
	s4 =	sadd.s32 s4, s6;
	[dreg:$0x0] =	wrdreg $0x0  }
0xa9: {  	s6 =	sshll.u32 s28, $0x1;
	[dreg:$0x2] =	wrdreg s4  }
0xaa: {  	[dreg:$0x3] =	wrdreg s6  }
0xab: {  	[dreg:$0x4] =	wrdreg $0xC0  }
0xac: {  	_ =	task [dreg:s8], $0x5FFFF  }
0xad: {  	[dreg:$0x1] =	wrdreg $0xFFFFFFFF  }
0xae: {  	[dreg:$0x0] =	wrdreg $0x60  }
0xaf: {  	[dreg:$0x2] =	wrdreg s24  }
0xb0: {  	[dreg:$0x3] =	wrdreg s2  }
0xb1: {  	[dreg:$0x4] =	wrdreg s18  }
0xb2: {  	[dreg:$0x5] =	wrdreg $0x9  }
0xb3: {  	_ =	task.clear_ibuf [dreg:s8], $0x6FFFF;
	_ =	strace $0x90000046  }
0xb4: {  	s29 =	simm.s32 $0x9;
	_ =	strace $0x80000048  }
0xb5: {  	_ =	swait.ge [sflag:s29], $0x1  }
0xb6: {  	[sflag:s29] =	ssyncadd.s32 $0xFFFFFFFF  }
0xb7: {  	_ =	strace $0x90000048  }
0xb8: {  	_ =	sfence  }
0xb9: {  	s30 =	sld [smem:$0x0];
	_ =	sdelay $0x2  }
0xba: {  	s31 =	sshll.u32 s1, $0xD;
	s1 =	sshrl.u32 s1, $0x2  }
0xbb: {  	s3 =	sand.u32 $0x4000, s31;
	s1 =	sadd.s32 s1, s30  }
0xbc: {  	s0 =	sor.u32 s3, s0;
	s1 =	sshll.u32 s1, $0x11  }
0xbd: {  	s0 =	sor.u32 s1, s0  }
0xbe: {  	s0 =	sadd.s32 $0x8F2B, s0  }
0xbf: {  	[sflag:s0] =	ssyncadd.remote.s32 $0x1  }
0xc0: {  	_ =	sfence.sel $0xFFFF  }
0xc1: {  	[dreg:$0x0] =	wrdreg $0xFFFFFFFF;
	(pc) =	sbr.abs _section_cstart, $3  }
0xc2: {  	[dreg:$0x1] =	wrdreg $0xFFFFFFFF  }
0xc3: {  	_ =	task.clear_ibuf [dreg:s8], $0x2FFFF;
	_ =	strace $0x9FFFFFFF  }
0xc4: {  	(tm) =	ssettm $0x7FFFFFFF  }
0xc5: {  	_ =	shalt  }
tec
execute0_lowered:
.L_overlay_start_1:
0x0: {  	(tag) =	ssettag $0x1  }
0x1: {  	s5 =	rddreg [dreg:$0x0]  }
0x2: {  	s6 =	rddreg [dreg:$0x1]  }
0x3: {  	s7 =	rddreg [dreg:$0x2]  }
0x4: {  	s0 =	rddreg [dreg:$0x3];
	s3 =	srdreg.scid  }
0x5: {  	s2 =	simm.s32 $0x0;
	s1 =	stileid.u32;
	s12 =	simm.s32 $0x200  }
0x6: {  	s13 =	simm.s32 $0x4200;
	s14 =	simm.s32 $0x100;
	s15 =	simm.s32 $0x8200  }
0x7: {  	s16 =	simm.s32 $0x180;
	s17 =	simm.s32 $0xC200;
	s18 =	simm.s32 $0x1  }
0x8: {  	s8 =	sand.u32 $0x1, s3;
	[smem:$0x7FF] =	sst s2;
	s9 =	sshll.u32 s1, $0x9  }
0x9: {  	s3 =	sadd.s32 $0x1600, s5;
	s4 =	sshll.u32 s8, $0xD;
	_ =	strace $0x80000047  }
0xa: {  	s8 =	ssub.s32 $0x2, s8;
	s9 =	sor.u32 s9, s4;
	s4 =	sadd.s32 $0x3D9600, s5  }
0xb: {  	s31 =	sshrl.u32 s8, $0x1;
	s10 =	sshll.u32 s9, $0x4;
	s9 =	sshrl.u32 s9, $0x3  }
0xc: {  	s11 =	ssub.s32 s8, s31;
	s10 =	sadd.s32 s10, s5;
	s5 =	sadd.s32 s6, s9  }
0xd: {  	s7 =	sadd.s32 s7, s9;
	s9 =	smax.u32 s11, $0x1;
	s11 =	simm.s32 $0x80  }
0xe: {  	s6 =	sadd.s32 $0x7B1600, s10;
	s8 =	sadd.s32 $0x7F1600, s10;
	s10 =	simm.s32 $0x2  }
.LBB2_1:
0xf: {  	[tilespmem:s2], [sflag:$0x2] =	stream.linear.gather [hbm4b:s5+s2], $0x200, $0x38;
	[tilespmem:$0x10200] =	vst v63  }
0x10: {  	_ =	swait.ge [sflag:s10], $0x200  }
0x11: {  	[sflag:s10] =	ssyncset.done $0x0  }
0x12: {  	[sflag:s10] =	ssyncadd.s32 $0xFFFFFE00  }
0x13: {  	v0 =	vld [tilespmem:$0x0]  }
0x14: {  	v1 =	vld [tilespmem:$0x10]  }
0x15: {  	v2 =	vld [tilespmem:$0x20]  }
0x16: {  	v3 =	vld [tilespmem:$0x30]  }
0x17: {  	v5 =	vld [tilespmem:$0x40]  }
0x18: {  	v7 =	vld [tilespmem:$0x50]  }
0x19: {  	v8 =	vld [tilespmem:$0x60]  }
0x1a: {  	v43 =	vld [tilespmem:$0x70]  }
0x1b: {  	v10 =	vld [tilespmem:$0x80]  }
0x1c: {  	v11 =	vld [tilespmem:$0x90]  }
0x1d: {  	v48 =	vld [tilespmem:$0xA0]  }
0x1e: {  	v13 =	vld [tilespmem:$0xB0];
	v4 =	vshrl.u32 v0, $0x2  }
0x1f: {  	v14 =	vld [tilespmem:$0xC0];
	v0 =	vand.u32 $0x7F, v0;
	v6 =	vshrl.u32 v1, $0x2;
	v41 =	vshrl.u32 v2, $0x2  }
0x20: {  	v53 =	vld [tilespmem:$0xD0];
	v1 =	vand.u32 $0x7F, v1;
	v2 =	vand.u32 $0x7F, v2;
	v42 =	vshrl.u32 v3, $0x2  }
0x21: {  	v15 =	vld [tilespmem:$0xE0];
	v3 =	vand.u32 $0x7F, v3;
	v9 =	vshrl.u32 v5, $0x2;
	v45 =	vshrl.u32 v7, $0x2  }
0x22: {  	v62 =	vld [tilespmem:$0xF0];
	v5 =	vand.u32 $0x7F, v5;
	v7 =	vand.u32 $0x7F, v7;
	v47 =	vshrl.u32 v8, $0x2  }
0x23: {  	v17 =	vld [tilespmem:$0x100];
	v8 =	vand.u32 $0x7F, v8;
	v12 =	vshrl.u32 v43, $0x2;
	v50 =	vshrl.u32 v10, $0x2  }
0x24: {  	v20 =	vld [tilespmem:$0x110];
	v10 =	vand.u32 $0x7F, v10;
	v52 =	vshrl.u32 v11, $0x2;
	v55 =	vand.u32 $0x7F, v11  }
0x25: {  	v56 =	vshrl.u32 v48, $0x2;
	v58 =	vshrl.u32 v13, $0x2;
	v59 =	vand.u32 $0x7F, v48  }
0x26: {  	v61 =	vand.u32 $0x7F, v13;
	v16 =	vshrl.u32 v14, $0x2;
	v18 =	vand.u32 $0x7F, v14  }
0x27: {  	v19 =	vshrl.u32 v53, $0x2;
	v22 =	vshrl.u32 v15, $0x2;
	v23 =	vand.u32 $0x7F, v53  }
0x28: {  	v24 =	vand.u32 $0x7F, v15;
	v26 =	vshrl.u32 v62, $0x2;
	v28 =	vand.u32 $0x7F, v62  }
0x29: {  	v25 =	vld [tilespmem:$0x120];
	v29 =	vshrl.u32 v17, $0x2;
	v33 =	vshrl.u32 v20, $0x2;
	v4 =	vand.u32 $0x3FFFFF80, v4  }
0x2a: {  	v34 =	vand.u32 $0x7F, v17;
	v40 =	vand.u32 $0x3FFFFF80, v6;
	v0 =	vor.u32 v0, v4  }
0x2b: {  	v35 =	vand.u32 $0x7F, v20;
	v6 =	vand.u32 $0x3FFFFF80, v41;
	v1 =	vor.u32 v1, v40;
	[tilespmem:$0x0] =	vst v0  }
0x2c: {  	v44 =	vand.u32 $0x3FFFFF80, v9;
	v9 =	vand.u32 $0x3FFFFF80, v45;
	v2 =	vor.u32 v2, v6;
	[tilespmem:$0x10] =	vst v1  }
0x2d: {  	v49 =	vand.u32 $0x3FFFFF80, v12;
	v12 =	vand.u32 $0x3FFFFF80, v50;
	v46 =	vor.u32 v7, v9;
	[tilespmem:$0x20] =	vst v2  }
0x2e: {  	v30 =	vld [tilespmem:$0x140];
	v38 =	vshrl.u32 v25, $0x2;
	v60 =	vand.u32 $0x3FFFFF80, v58;
	v51 =	vor.u32 v10, v12;
	[tilespmem:$0x50] =	vst v46  }
0x2f: {  	v27 =	vld [tilespmem:$0x130];
	v54 =	vand.u32 $0x3FFFFF80, v52;
	v4 =	vand.u32 $0x3FFFFF80, v42;
	v63 =	vor.u32 v61, v60;
	[tilespmem:$0x80] =	vst v51  }
0x30: {  	v57 =	vand.u32 $0x3FFFFF80, v56;
	v21 =	vand.u32 $0x3FFFFF80, v19;
	v3 =	vor.u32 v3, v4;
	[tilespmem:$0xB0] =	vst v63  }
0x31: {  	v32 =	vand.u32 $0x3FFFFF80, v29;
	v7 =	vand.u32 $0x3FFFFF80, v47;
	v4 =	vor.u32 v5, v44;
	[tilespmem:$0x30] =	vst v3  }
0x32: {  	v36 =	vld [tilespmem:$0x150];
	v41 =	vand.u32 $0x7F, v25;
	v6 =	vand.u32 $0x7F, v43;
	v7 =	vor.u32 v8, v7;
	[tilespmem:$0x40] =	vst v4  }
0x33: {  	v39 =	vld [tilespmem:$0x160];
	v45 =	vshrl.u32 v30, $0x2;
	v40 =	vand.u32 $0x3FFFFF80, v38;
	v6 =	vor.u32 v6, v49;
	[tilespmem:$0x60] =	vst v7  }
0x34: {  	v42 =	vshrl.u32 v27, $0x2;
	v47 =	vand.u32 $0x7F, v30;
	v0 =	vor.u32 v55, v54;
	[tilespmem:$0x70] =	vst v6  }
0x35: {  	v1 =	vor.u32 v59, v57;
	v5 =	vand.u32 $0x3FFFFF80, v22;
	v8 =	vand.u32 $0x3FFFFF80, v33;
	[tilespmem:$0x90] =	vst v0  }
0x36: {  	v44 =	vand.u32 $0x3FFFFF80, v42;
	v46 =	vand.u32 $0x7F, v27;
	v4 =	vor.u32 v23, v21;
	[tilespmem:$0xA0] =	vst v1  }
0x37: {  	v48 =	vld [tilespmem:$0x180];
	v51 =	vshrl.u32 v36, $0x2;
	v54 =	vand.u32 $0x7F, v36;
	v5 =	vor.u32 v24, v5;
	[tilespmem:$0xD0] =	vst v4  }
0x38: {  	v13 =	vld [tilespmem:$0x1C0];
	v55 =	vshrl.u32 v39, $0x2;
	v59 =	vand.u32 $0x7F, v39;
	v1 =	vor.u32 v34, v32;
	[tilespmem:$0xE0] =	vst v5  }
0x39: {  	v52 =	vld [tilespmem:$0x190];
	v3 =	vand.u32 $0x3FFFFF80, v16;
	v6 =	vand.u32 $0x3FFFFF80, v26;
	v37 =	vor.u32 v35, v8;
	[tilespmem:$0x100] =	vst v1  }
0x3a: {  	v56 =	vld [tilespmem:$0x1A0];
	v49 =	vor.u32 v46, v44;
	v53 =	vand.u32 $0x3FFFFF80, v51;
	v57 =	vand.u32 $0x3FFFFF80, v55;
	[tilespmem:$0x110] =	vst v37  }
0x3b: {  	v25 =	vld [tilespmem:$0x1F0];
	v3 =	vor.u32 v18, v3;
	v31 =	vor.u32 v28, v6;
	v6 =	vand.u32 $0x3FFFFF80, v45;
	[tilespmem:$0x130] =	vst v49  }
0x3c: {  	v43 =	vld [tilespmem:$0x170];
	v1 =	vor.u32 v54, v53;
	v62 =	vor.u32 v59, v57;
	v12 =	vshrl.u32 v48, $0x2;
	[tilespmem:$0xC0] =	vst v3  }
0x3d: {  	v14 =	vand.u32 $0x7F, v48;
	v28 =	vshrl.u32 v13, $0x2;
	v32 =	vand.u32 $0x7F, v13;
	[tilespmem:$0xF0] =	vst v31  }
0x3e: {  	v61 =	vld [tilespmem:$0x1B0];
	v3 =	vor.u32 v41, v40;
	v50 =	vor.u32 v47, v6;
	v15 =	vshrl.u32 v52, $0x2;
	[tilespmem:$0x150] =	vst v1  }
0x3f: {  	v19 =	vshrl.u32 v56, $0x2;
	[tilespmem:$0x160] =	vst v62;
	v20 =	vand.u32 $0x7F, v52;
	v21 =	vand.u32 $0x7F, v56  }
0x40: {  	v30 =	vand.u32 $0x3FFFFF80, v28;
	v39 =	vshrl.u32 v25, $0x2;
	v41 =	vand.u32 $0x7F, v25;
	[tilespmem:$0x120] =	vst v3  }
0x41: {  	v22 =	vld [tilespmem:$0x1E0];
	v58 =	vshrl.u32 v43, $0x2;
	[tilespmem:$0x140] =	vst v50;
	v3 =	vand.u32 $0x3FFFFF80, v12;
	v34 =	vor.u32 v32, v30  }
0x42: {  	v16 =	vld [tilespmem:$0x1D0];
	v60 =	vand.u32 $0x7F, v43;
	v18 =	vand.u32 $0x3FFFFF80, v15;
	v17 =	vor.u32 v14, v3;
	[tilespmem:$0x1C0] =	vst v34  }
0x43: {  	v4 =	vand.u32 $0x3FFFFF80, v19;
	v24 =	vshrl.u32 v61, $0x2;
	v0 =	vor.u32 v20, v18;
	[tilespmem:$0x180] =	vst v17  }
0x44: {  	v27 =	vand.u32 $0x7F, v61;
	v40 =	vand.u32 $0x3FFFFF80, v39;
	v23 =	vor.u32 v21, v4;
	[tilespmem:$0x190] =	vst v0  }
0x45: {  	v5 =	vand.u32 $0x3FFFFF80, v58;
	v26 =	vand.u32 $0x3FFFFF80, v24;
	v42 =	vor.u32 v41, v40;
	[tilespmem:$0x1A0] =	vst v23  }
0x46: {  	v36 =	vshrl.u32 v22, $0x2;
	v38 =	vand.u32 $0x7F, v22;
	v63 =	vor.u32 v60, v5;
	[tilespmem:$0x1F0] =	vst v42  }
0x47: {  	v29 =	vor.u32 v27, v26;
	v31 =	vshrl.u32 v16, $0x2;
	v37 =	vand.u32 $0x3FFFFF80, v36;
	[tilespmem:$0x170] =	vst v63  }
0x48: {  	v33 =	vand.u32 $0x7F, v16;
	v3 =	vand.u32 $0x3FFFFF80, v31;
	[tilespmem:$0x1B0] =	vst v29;
	v0 =	vor.u32 v38, v37  }
0x49: {  	v35 =	vor.u32 v33, v3;
	[tilespmem:$0x1E0] =	vst v0  }
0x4a: {  	[tilespmem:$0x1D0] =	vst v35  }
0x4b: {  	[tilespmem:s12], [sflag:$0x1] =	stream.indirect.gather [hbm4b:s3+s11], $0x80, s2, s11, $0xb8;
	[tilespmem:$0x10200] =	vst v63  }
0x4c: {  	_ = 	snop  }
0x4d: {  	[tilespmem:s13], [sflag:$0x1] =	stream.indirect.gather [hbm4b:s3+s11], $0x80, s11, s11, $0xb8;
	[tilespmem:$0x10200] =	vst v63  }
0x4e: {  	_ = 	snop  }
0x4f: {  	[tilespmem:s15], [sflag:$0x1] =	stream.indirect.gather [hbm4b:s3+s11], $0x80, s14, s11, $0xb8;
	[tilespmem:$0x10200] =	vst v63  }
0x50: {  	_ = 	snop  }
0x51: {  	[tilespmem:s17], [sflag:$0x1] =	stream.indirect.gather [hbm4b:s3+s11], $0x80, s16, s11, $0xb8;
	[tilespmem:$0x10200] =	vst v63  }
0x52: {  	_ =	swait.ge [sflag:s18], $0x4000  }
0x53: {  	[sflag:s18] =	ssyncset.done $0x0  }
0x54: {  	[sflag:s18] =	ssyncadd.s32 $0xFFFFC000  }
0x55: {  	_ =	swait.ge [sflag:s18], $0x4000  }
0x56: {  	[sflag:s18] =	ssyncset.done $0x0  }
0x57: {  	[sflag:s18] =	ssyncadd.s32 $0xFFFFC000  }
0x58: {  	_ =	swait.ge [sflag:s18], $0x4000  }
0x59: {  	[sflag:s18] =	ssyncset.done $0x0  }
0x5a: {  	[sflag:s18] =	ssyncadd.s32 $0xFFFFC000  }
0x5b: {  	_ =	swait.ge [sflag:s18], $0x4000  }
0x5c: {  	[sflag:s18] =	ssyncset.done $0x0  }
0x5d: {  	[sflag:s18] =	ssyncadd.s32 $0xFFFFC000  }
0x5e: {  	[hbm4b:s6+s2] =	stream.linear.scatter [tilespmem:s12], [sflag:$0x2], $0x10000, $0x38;
	[tilespmem:$0x10200] =	vst v63  }
0x5f: {  	_ =	swait.ge [sflag:s10], $0x10000  }
0x60: {  	[sflag:s10] =	ssyncset.done $0x0  }
0x61: {  	[sflag:s10] =	ssyncadd.s32 $0xFFFF0000  }
0x62: {  	[tilespmem:s2], [sflag:$0x2] =	stream.linear.gather [hbm4b:s7+s2], $0x200, $0x38;
	[tilespmem:$0x10200] =	vst v63  }
0x63: {  	_ =	swait.ge [sflag:s10], $0x200  }
0x64: {  	[sflag:s10] =	ssyncset.done $0x0  }
0x65: {  	[sflag:s10] =	ssyncadd.s32 $0xFFFFFE00  }
0x66: {  	v43 =	vld [tilespmem:$0x0]  }
0x67: {  	v44 =	vld [tilespmem:$0x10]  }
0x68: {  	v45 =	vld [tilespmem:$0x20]  }
0x69: {  	v46 =	vld [tilespmem:$0x30]  }
0x6a: {  	v48 =	vld [tilespmem:$0x40]  }
0x6b: {  	v50 =	vld [tilespmem:$0x50]  }
0x6c: {  	v53 =	vld [tilespmem:$0x60]  }
0x6d: {  	v55 =	vld [tilespmem:$0x70]  }
0x6e: {  	v57 =	vld [tilespmem:$0x80]  }
0x6f: {  	v60 =	vld [tilespmem:$0x90]  }
0x70: {  	v63 =	vld [tilespmem:$0xA0];
	v47 =	vshrl.u32 v43, $0x2  }
0x71: {  	v18 =	vld [tilespmem:$0xB0];
	v0 =	vand.u32 $0x7F, v43;
	v49 =	vshrl.u32 v44, $0x2;
	v52 =	vshrl.u32 v45, $0x2  }
0x72: {  	v21 =	vld [tilespmem:$0xC0];
	v1 =	vand.u32 $0x7F, v44;
	v2 =	vand.u32 $0x7F, v45;
	v54 =	vshrl.u32 v46, $0x2  }
0x73: {  	v24 =	vld [tilespmem:$0xD0];
	v3 =	vand.u32 $0x7F, v46;
	v56 =	vshrl.u32 v48, $0x2;
	v59 =	vshrl.u32 v50, $0x2  }
0x74: {  	v28 =	vld [tilespmem:$0xE0];
	v5 =	vand.u32 $0x7F, v48;
	v7 =	vand.u32 $0x7F, v50;
	v62 =	vshrl.u32 v53, $0x2  }
0x75: {  	v34 =	vld [tilespmem:$0xF0];
	v8 =	vand.u32 $0x7F, v53;
	v17 =	vshrl.u32 v55, $0x2;
	v20 =	vshrl.u32 v57, $0x2  }
0x76: {  	v40 =	vld [tilespmem:$0x110];
	v10 =	vand.u32 $0x7F, v57;
	v23 =	vshrl.u32 v60, $0x2;
	v26 =	vand.u32 $0x7F, v60  }
0x77: {  	v27 =	vshrl.u32 v63, $0x2;
	v30 =	vshrl.u32 v18, $0x2;
	v31 =	vand.u32 $0x7F, v63  }
0x78: {  	v33 =	vand.u32 $0x7F, v18;
	v36 =	vshrl.u32 v21, $0x2;
	v38 =	vand.u32 $0x7F, v21  }
0x79: {  	v39 =	vshrl.u32 v24, $0x2;
	v42 =	vshrl.u32 v28, $0x2;
	v43 =	vand.u32 $0x7F, v24  }
0x7a: {  	v44 =	vand.u32 $0x7F, v28;
	v46 =	vshrl.u32 v34, $0x2;
	v48 =	vand.u32 $0x7F, v34  }
0x7b: {  	v37 =	vld [tilespmem:$0x100];
	v53 =	vshrl.u32 v40, $0x2;
	v4 =	vand.u32 $0x3FFFFF80, v47;
	v51 =	vand.u32 $0x3FFFFF80, v49  }
0x7c: {  	v6 =	vand.u32 $0x3FFFFF80, v52;
	v58 =	vand.u32 $0x3FFFFF80, v56;
	v0 =	vor.u32 v0, v4  }
0x7d: {  	v9 =	vand.u32 $0x3FFFFF80, v59;
	v19 =	vand.u32 $0x3FFFFF80, v17;
	v1 =	vor.u32 v1, v51;
	[tilespmem:$0x0] =	vst v0  }
0x7e: {  	v12 =	vand.u32 $0x3FFFFF80, v20;
	v25 =	vand.u32 $0x3FFFFF80, v23;
	v2 =	vor.u32 v2, v6;
	[tilespmem:$0x10] =	vst v1  }
0x7f: {  	v29 =	vand.u32 $0x3FFFFF80, v27;
	v32 =	vand.u32 $0x3FFFFF80, v30;
	v61 =	vor.u32 v7, v9;
	[tilespmem:$0x20] =	vst v2  }
0x80: {  	v41 =	vand.u32 $0x3FFFFF80, v39;
	v49 =	vshrl.u32 v37, $0x2;
	v22 =	vor.u32 v10, v12;
	[tilespmem:$0x50] =	vst v61  }
0x81: {  	v4 =	vand.u32 $0x3FFFFF80, v54;
	v7 =	vand.u32 $0x3FFFFF80, v62;
	v35 =	vor.u32 v33, v32;
	[tilespmem:$0x80] =	vst v22  }
0x82: {  	v45 =	vld [tilespmem:$0x120];
	v6 =	vand.u32 $0x7F, v55;
	v52 =	vand.u32 $0x3FFFFF80, v49;
	v3 =	vor.u32 v3, v4;
	[tilespmem:$0xB0] =	vst v35  }
0x83: {  	v50 =	vld [tilespmem:$0x140];
	v54 =	vand.u32 $0x7F, v37;
	v55 =	vand.u32 $0x7F, v40;
	v4 =	vor.u32 v5, v58;
	[tilespmem:$0x30] =	vst v3  }
0x84: {  	v63 =	vld [tilespmem:$0x170];
	v7 =	vor.u32 v8, v7;
	v6 =	vor.u32 v6, v19;
	v0 =	vor.u32 v26, v25;
	[tilespmem:$0x40] =	vst v4  }
0x85: {  	v21 =	vld [tilespmem:$0x190];
	v1 =	vor.u32 v31, v29;
	v5 =	vand.u32 $0x3FFFFF80, v42;
	v8 =	vand.u32 $0x3FFFFF80, v53;
	[tilespmem:$0x60] =	vst v7  }
0x86: {  	v34 =	vld [tilespmem:$0x1C0];
	v3 =	vand.u32 $0x3FFFFF80, v36;
	[tilespmem:$0x70] =	vst v6;
	v4 =	vor.u32 v43, v41;
	v5 =	vor.u32 v44, v5  }
0x87: {  	v47 =	vld [tilespmem:$0x130];
	v6 =	vand.u32 $0x3FFFFF80, v46;
	[tilespmem:$0xA0] =	vst v1;
	v1 =	vor.u32 v54, v52;
	v57 =	vor.u32 v55, v8  }
0x88: {  	v56 =	vld [tilespmem:$0x150];
	[tilespmem:$0x90] =	vst v0;
	v3 =	vor.u32 v38, v3;
	v51 =	vor.u32 v48, v6;
	v58 =	vshrl.u32 v45, $0x2  }
0x89: {  	v59 =	vld [tilespmem:$0x160];
	v61 =	vand.u32 $0x7F, v45;
	[tilespmem:$0xD0] =	vst v4;
	v14 =	vshrl.u32 v50, $0x2;
	v16 =	vand.u32 $0x7F, v50  }
0x8a: {  	v17 =	vld [tilespmem:$0x180];
	[tilespmem:$0xE0] =	vst v5;
	v27 =	vshrl.u32 v63, $0x2;
	v29 =	vand.u32 $0x7F, v63;
	v36 =	vshrl.u32 v21, $0x2  }
0x8b: {  	[tilespmem:$0x100] =	vst v1;
	v41 =	vand.u32 $0x7F, v21;
	v49 =	vshrl.u32 v34, $0x2;
	v53 =	vand.u32 $0x7F, v34  }
0x8c: {  	v30 =	vld [tilespmem:$0x1B0];
	[tilespmem:$0x110] =	vst v57;
	v60 =	vand.u32 $0x3FFFFF80, v58;
	v62 =	vshrl.u32 v47, $0x2;
	v15 =	vand.u32 $0x7F, v47  }
0x8d: {  	[tilespmem:$0xC0] =	vst v3;
	v6 =	vand.u32 $0x3FFFFF80, v14;
	v20 =	vshrl.u32 v56, $0x2;
	v23 =	vand.u32 $0x7F, v56  }
0x8e: {  	[tilespmem:$0xF0] =	vst v51;
	v24 =	vshrl.u32 v59, $0x2;
	v28 =	vand.u32 $0x7F, v59;
	v3 =	vor.u32 v61, v60  }
0x8f: {  	v37 =	vld [tilespmem:$0x1D0];
	v5 =	vand.u32 $0x3FFFFF80, v27;
	v33 =	vshrl.u32 v17, $0x2;
	v19 =	vor.u32 v16, v6;
	[tilespmem:$0x120] =	vst v3  }
0x90: {  	v35 =	vand.u32 $0x7F, v17;
	v39 =	vand.u32 $0x3FFFFF80, v36;
	v32 =	vor.u32 v29, v5;
	[tilespmem:$0x140] =	vst v19  }
0x91: {  	v25 =	vld [tilespmem:$0x1A0];
	v45 =	vshrl.u32 v30, $0x2;
	v51 =	vand.u32 $0x3FFFFF80, v49;
	v0 =	vor.u32 v41, v39;
	[tilespmem:$0x170] =	vst v32  }
0x92: {  	v48 =	vand.u32 $0x7F, v30;
	v13 =	vand.u32 $0x3FFFFF80, v62;
	v55 =	vor.u32 v53, v51;
	[tilespmem:$0x190] =	vst v0  }
0x93: {  	v43 =	vld [tilespmem:$0x1E0];
	v22 =	vand.u32 $0x3FFFFF80, v20;
	v26 =	vand.u32 $0x3FFFFF80, v24;
	v18 =	vor.u32 v15, v13;
	[tilespmem:$0x1C0] =	vst v55  }
0x94: {  	v46 =	vld [tilespmem:$0x1F0];
	v47 =	vand.u32 $0x3FFFFF80, v45;
	v52 =	vshrl.u32 v37, $0x2;
	v1 =	vor.u32 v23, v22;
	[tilespmem:$0x130] =	vst v18  }
0x95: {  	v54 =	vand.u32 $0x7F, v37;
	v31 =	vor.u32 v28, v26;
	v3 =	vand.u32 $0x3FFFFF80, v33;
	[tilespmem:$0x150] =	vst v1  }
0x96: {  	v40 =	vshrl.u32 v25, $0x2;
	v42 =	vand.u32 $0x7F, v25;
	v50 =	vor.u32 v48, v47;
	[tilespmem:$0x160] =	vst v31  }
0x97: {  	v38 =	vor.u32 v35, v3;
	v4 =	vand.u32 $0x3FFFFF80, v40;
	v3 =	vand.u32 $0x3FFFFF80, v52;
	[tilespmem:$0x1B0] =	vst v50  }
0x98: {  	v57 =	vshrl.u32 v43, $0x2;
	v59 =	vand.u32 $0x7F, v43;
	v44 =	vor.u32 v42, v4;
	[tilespmem:$0x180] =	vst v38  }
0x99: {  	v60 =	vshrl.u32 v46, $0x2;
	v56 =	vor.u32 v54, v3;
	v58 =	vand.u32 $0x3FFFFF80, v57;
	[tilespmem:$0x1A0] =	vst v44  }
0x9a: {  	v62 =	vand.u32 $0x7F, v46;
	v61 =	vand.u32 $0x3FFFFF80, v60;
	[tilespmem:$0x1D0] =	vst v56;
	v0 =	vor.u32 v59, v58  }
0x9b: {  	v63 =	vor.u32 v62, v61;
	[tilespmem:$0x1E0] =	vst v0  }
0x9c: {  	[tilespmem:$0x1F0] =	vst v63  }
0x9d: {  	[tilespmem:s12], [sflag:$0x1] =	stream.indirect.gather [hbm4b:s4+s11], $0x80, s2, s11, $0xb8;
	[tilespmem:$0x10200] =	vst v63  }
0x9e: {  	_ = 	snop  }
0x9f: {  	[tilespmem:s13], [sflag:$0x1] =	stream.indirect.gather [hbm4b:s4+s11], $0x80, s11, s11, $0xb8;
	[tilespmem:$0x10200] =	vst v63  }
0xa0: {  	_ = 	snop  }
0xa1: {  	[tilespmem:s15], [sflag:$0x1] =	stream.indirect.gather [hbm4b:s4+s11], $0x80, s14, s11, $0xb8;
	[tilespmem:$0x10200] =	vst v63  }
0xa2: {  	_ = 	snop  }
0xa3: {  	[tilespmem:s17], [sflag:$0x1] =	stream.indirect.gather [hbm4b:s4+s11], $0x80, s16, s11, $0xb8;
	[tilespmem:$0x10200] =	vst v63  }
0xa4: {  	_ =	swait.ge [sflag:s18], $0x4000  }
0xa5: {  	[sflag:s18] =	ssyncset.done $0x0  }
0xa6: {  	[sflag:s18] =	ssyncadd.s32 $0xFFFFC000  }
0xa7: {  	_ =	swait.ge [sflag:s18], $0x4000  }
0xa8: {  	[sflag:s18] =	ssyncset.done $0x0  }
0xa9: {  	[sflag:s18] =	ssyncadd.s32 $0xFFFFC000  }
0xaa: {  	_ =	swait.ge [sflag:s18], $0x4000  }
0xab: {  	[sflag:s18] =	ssyncset.done $0x0  }
0xac: {  	[sflag:s18] =	ssyncadd.s32 $0xFFFFC000  }
0xad: {  	_ =	swait.ge [sflag:s18], $0x4000  }
0xae: {  	p0 =	sne.s32 s9, $0x1;
	[sflag:s18] =	ssyncset.done $0x0  }
.Ltmp0:
0xaf: {  	[sflag:s18] =	ssyncadd.s32 $0xFFFFC000;
	(pc) =	sbr.rel @p0 .LBB2_1-.Ltmp0, $4  }
0xb0: {  	[hbm4b:s8+s2] =	stream.linear.scatter [tilespmem:s12], [sflag:$0x2], $0x10000, $0x38;
	[tilespmem:$0x10200] =	vst v63  }
0xb1: {  	_ =	swait.ge [sflag:s10], $0x10000  }
0xb2: {  	[sflag:s10] =	ssyncset.done $0x0  }
0xb3: {  	s9 =	sadd.s32 $0xFFFFFFFF, s9;
	[sflag:s10] =	ssyncadd.s32 $0xFFFF0000  }
0xb4: {  	_ =	sfence.sel $0x180000  }
0xb5: {  	[bflag:$0x0] =	sbarrier.arrive $0xFFFF  }
0xb6: {  	p0 =	sne.s32 s1, $0x0;
	_ =	strace $0x90000047  }
0xb7: {  	s0 =	sadd.s32 @!p0 $0x100000, s0;
	[bflag:$0x2] =	sbarrier.arrive $0xFFFF  }
0xb8: {  	[sflag:s0] =	ssyncadd.tile.s32 @!p0 $0x1;
	_ =	shalt  }
.Lfunc_end2:
_tile_overlayer_lowered:
.L_overlay_start_2:
0xb9: {  	(tag) =	ssettag $0x2  }
0xba: {  	s0 =	rddreg [dreg:$0x0];
	s2 =	stileid.u32  }
0xbb: {  	s1 =	rddreg [dreg:$0x1];
	p0 =	sne.s32 s2, $0x0  }
0xbc: {  	s3 =	rddreg [dreg:$0x2];
	[bflag:$0x3] =	sbarrier.arrive $0xFFFF;
	s2 =	simm.s32 @!p0 $0x1C02  }
0xbd: {  	[timem:s3], [sflag:s2] =	dma.local @!p0 [hbm:s0], s1  }
0xbe: {  	s0 =	simm.s32 @!p0 $0x2  }
0xbf: {  	_ =	swait.ge @!p0 [sflag:s0], s1  }
0xc0: {  	s1 =	ssub.s32 @!p0 $0x0, s1;
	[sflag:s0] =	ssyncset.done @!p0 $0x0  }
0xc1: {  	[sflag:s0] =	ssyncadd.s32 @!p0 s1  }
0xc2: {  	[bflag:$0x3] =	sbarrier.arrive $0xFFFF  }
0xc3: {  	_ =	shalt  }

</sc_bundles>
